<compile_context>
chip_gen: v7x
topology: tpu7x:2x2x1
jax: 0.10.2.dev20260603
libtpu: 0.0.44.dev20260713+nightly
codegen_flags: <defaults>
</compile_context>

<pallas_src>
import jax
import jax.numpy as jnp
from jax import lax
from jax.experimental import pallas as pl
from jax.experimental.pallas import tpu as pltpu
from jax.experimental.pallas import tpu_sc as plsc

S = 10000
SP = 10240
D = 128
NC, NS = 2, 16
NW = NC * NS
R = 200
IW = 100
SEG_PER_SUB = SP // NS
ZR = 128


def _zero_rows(buf, rows):
    z = jnp.zeros((16,), jnp.float32)

    def body(i, _):
        r = i // (D // 16)
        k = i % (D // 16)
        buf[r, pl.ds(k * 16, 16)] = z
        return 0

    lax.fori_loop(0, rows * (D // 16), body, 0)


def _segsum_body(x_hbm, batch_hbm, out_hbm, xbuf, idxall, acc_sh):
    c = lax.axis_index("c")
    s = lax.axis_index("s")
    n = x_hbm.shape[0]
    worker_rows = n // NW
    chunks = worker_rows // R
    w = c * NS + s
    base0 = w * worker_rows

    _zero_rows(xbuf, ZR)
    for z in range(SEG_PER_SUB // ZR):
        pltpu.sync_copy(xbuf.at[pl.ds(0, ZR)],
                        acc_sh.at[pl.ds(s * SEG_PER_SUB + z * ZR, ZR)])
    pltpu.sync_copy(batch_hbm.at[w], idxall)
    plsc.subcore_barrier()

    def chunk(t, _):
        base = base0 + t * R
        pltpu.sync_copy(x_hbm.at[pl.ds(base, R)], xbuf)
        for j in range(R // IW):
            pltpu.sync_copy(xbuf.at[pl.ds(j * IW, IW)],
                            acc_sh.at[idxall.at[t * (R // IW) + j]], add=True)
        return 0

    lax.fori_loop(0, chunks, chunk, 0)
    plsc.subcore_barrier()
    pltpu.sync_copy(acc_sh.at[pl.ds(s * SEG_PER_SUB, SEG_PER_SUB)],
                    out_hbm.at[c, pl.ds(s * SEG_PER_SUB, SEG_PER_SUB)])


def _gather_body(ym_hbm, batch_hbm, out_hbm, gbuf, idxall, ym_sh):
    c = lax.axis_index("c")
    s = lax.axis_index("s")
    n = out_hbm.shape[0]
    worker_rows = n // NW
    chunks = worker_rows // R
    w = c * NS + s
    base0 = w * worker_rows

    pltpu.sync_copy(ym_hbm.at[pl.ds(s * SEG_PER_SUB, SEG_PER_SUB)],
                    ym_sh.at[pl.ds(s * SEG_PER_SUB, SEG_PER_SUB)])
    pltpu.sync_copy(batch_hbm.at[w], idxall)
    plsc.subcore_barrier()

    def chunk(t, _):
        base = base0 + t * R
        for j in range(R // IW):
            pltpu.sync_copy(ym_sh.at[idxall.at[t * (R // IW) + j]],
                            gbuf.at[pl.ds(j * IW, IW)])
        pltpu.sync_copy(gbuf, out_hbm.at[pl.ds(base, R)])
        return 0

    lax.fori_loop(0, chunks, chunk, 0)


def _lambda_body(xm_ref, wl_ref, ym_ref):
    xm = xm_ref[0] + xm_ref[1]
    ym_ref[...] = lax.dot_general(xm, wl_ref[...], (((1,), (1,)), ((), ())),
                                  preferred_element_type=jnp.float32)


def _gamma_body(x_ref, ye_ref, wg_ref, bg_ref, out_ref):
    xg = lax.dot_general(x_ref[...], wg_ref[...], (((1,), (1,)), ((), ())),
                         preferred_element_type=jnp.float32)
    out_ref[...] = xg + bg_ref[...] - ye_ref[...]


def kernel(x, batch, W_gamma, b_gamma, W_lambda):
    N = x.shape[0]
    per_w = N // NW
    batch3d = batch.astype(jnp.int32).reshape(NW, per_w // IW, IW)
    mesh = plsc.VectorSubcoreMesh(core_axis_name="c", subcore_axis_name="s",
                                  num_cores=NC, num_subcores=NS)

    seg = pl.kernel(
        _segsum_body,
        out_type=jax.ShapeDtypeStruct((NC, SP, D), jnp.float32),
        mesh=mesh,
        scratch_types=[
            pltpu.VMEM((R, D), jnp.float32),
            pltpu.VMEM((per_w // IW, IW), jnp.int32),
            pltpu.VMEM_SHARED((SP, D), jnp.float32),
        ],
    )
    xm2 = seg(x, batch3d)

    B2 = 1024
    ym = pl.pallas_call(
        _lambda_body,
        grid=(SP // B2,),
        in_specs=[
            pl.BlockSpec((2, B2, D), lambda i: (0, i, 0)),
            pl.BlockSpec((D, D), lambda i: (0, 0)),
        ],
        out_specs=pl.BlockSpec((B2, D), lambda i: (i, 0)),
        out_shape=jax.ShapeDtypeStruct((SP, D), jnp.float32),
    )(xm2, W_lambda)

    gat = pl.kernel(
        _gather_body,
        out_type=jax.ShapeDtypeStruct((N, D), jnp.float32),
        mesh=mesh,
        scratch_types=[
            pltpu.VMEM((R, D), jnp.float32),
            pltpu.VMEM((per_w // IW, IW), jnp.int32),
            pltpu.VMEM_SHARED((SP, D), jnp.float32),
        ],
    )
    yexp = gat(ym, batch3d)

    B4 = 512
    out = pl.pallas_call(
        _gamma_body,
        grid=(N // B4,),
        in_specs=[
            pl.BlockSpec((B4, D), lambda i: (i, 0)),
            pl.BlockSpec((B4, D), lambda i: (i, 0)),
            pl.BlockSpec((D, D), lambda i: (0, 0)),
            pl.BlockSpec((1, D), lambda i: (0, 0)),
        ],
        out_specs=pl.BlockSpec((B4, D), lambda i: (i, 0)),
        out_shape=jax.ShapeDtypeStruct((N, D), jnp.float32),
    )(x, yexp, W_gamma, b_gamma.reshape(1, D))
    return out

# --- scband reference (transcript-rebuilt; emitter-appended) ---
"""Pipeline reference for scband-deep-set-layer-3152505996137 (READ-ONLY COPY).

The authoritative reference and input builder live on the scoring server;
editing this copy changes nothing except your own understanding.
"""

import jax, jax.numpy as jnp
import numpy as np

N = 320000
D_IN = 128
D_OUT = 128
NUM_SEGMENTS = 10000

def setup_inputs(seed: int = 0) -> dict:
    key = jax.random.key(seed)
    k1, k2, k3, k4, k5 = jax.random.split(key, 5)
    x = jax.random.normal(k1, (N, D_IN), dtype=jnp.float32)
    batch = jnp.sort(jax.random.randint(k2, (N,), 0, NUM_SEGMENTS)).astype(jnp.int64)
    # nn.Linear(dim_in, dim_out) params: weight [dim_out, dim_in], bias [dim_out]
    W_gamma = jax.random.normal(k3, (D_OUT, D_IN), dtype=jnp.float32) * 0.05
    b_gamma = jax.random.normal(k4, (D_OUT,), dtype=jnp.float32) * 0.05
    W_lambda = jax.random.normal(k5, (D_OUT, D_IN), dtype=jnp.float32) * 0.05
    return {"x": x, "batch": batch, "W_gamma": W_gamma, "b_gamma": b_gamma, "W_lambda": W_lambda}

def reference(x, batch, W_gamma, b_gamma, W_lambda):
    # xm = scatter(x, batch, dim=0, reduce="sum")
    xm = jax.ops.segment_sum(x, batch, num_segments=NUM_SEGMENTS)
    # xm = Lambda(xm)  (no bias)
    xm = xm @ W_lambda.T
    # x = Gamma(x)
    xg = x @ W_gamma.T + b_gamma
    # x = x - xm[batch, :]  (gather back per-element)
    return xg - jnp.take(xm, batch, axis=0)

if __name__ == "__main__":
    import jax
    _d = setup_inputs()
    print(jax.jit(kernel)(*tuple(_d.values())))

</pallas_src>

<mosaic_0001>
#map = affine_map<(d0, d1) -> (0, 0)>
#map1 = affine_map<(d0, d1) -> (0, 0, 0)>
module attributes {stable_mosaic.version = 14 : i64} {
  func.func @_gather_body(%arg0: i32, %arg1: i32, %arg2: memref<10240x128xf32, #tpu.memory_space<hbm>>, %arg3: memref<32x100x100xi32, #tpu.memory_space<hbm>>, %arg4: memref<320000x128xf32, #tpu.memory_space<hbm>>, %arg5: memref<200x128xf32, #tpu.memory_space<vmem>>, %arg6: memref<100x100xi32, #tpu.memory_space<vmem>>, %arg7: memref<10240x128xf32, #tpu.memory_space<vmem_shared>>) attributes {dimension_semantics = [#tpu.dimension_semantics<core_parallel>, #tpu.dimension_semantics<subcore_parallel>], iteration_bounds = array<i64: 2, 16>, scalar_prefetch = 0 : i64, scratch_operands = 3 : i64, tpu.core_type = #tpu.core_type<sc_vector_subcore>, window_params = [{transform_indices = #map}, {transform_indices = #map1}, {transform_indices = #map}]} {
    %mul3A = arith.constant 16 : i32
    %mul3A_0 = arith.muli %arg0, %mul3A : i32
    %add3A = arith.addi %mul3A_0, %arg1 : i32
    %mul3A_1 = arith.constant 10000 : i32
    %mul3A_2 = arith.muli %add3A, %mul3A_1 : i32
    %mul3A_3 = arith.constant 640 : i32
    %mul3A_4 = arith.muli %arg1, %mul3A_3 : i32
    %mul3A_5 = arith.constant 640 : i32
    %mul3A_6 = arith.muli %arg1, %mul3A_5 : i32
    "tpu.region"() ({
      %run_scoped3A = tpu.sem_alloc : memref<!tpu.dma_semaphore, #tpu.memory_space<semaphore_mem>>
      %dma_start3A = arith.constant 0 : i32
      %dma_start3A_13 = tpu.memref_slice %arg7[%mul3A_6, %dma_start3A] : memref<10240x128xf32, #tpu.memory_space<vmem_shared>> -> memref<640x128xf32, #tpu.memory_space<vmem_shared>>
      %dma_start3A_14 = arith.constant 0 : i32
      %dma_start3A_15 = tpu.memref_slice %arg2[%mul3A_4, %dma_start3A_14] : memref<10240x128xf32, #tpu.memory_space<hbm>> -> memref<640x128xf32, #tpu.memory_space<hbm>>
      tpu.enqueue_dma source(%dma_start3A_15 : memref<640x128xf32, #tpu.memory_space<hbm>>) target(%dma_start3A_13 : memref<640x128xf32, #tpu.memory_space<vmem_shared>>) target_semaphore(%run_scoped3A : memref<!tpu.dma_semaphore, #tpu.memory_space<semaphore_mem>>)
      %dma_wait3A = arith.constant 0 : i32
      %dma_wait3A_16 = tpu.memref_slice %arg7[%mul3A_6, %dma_wait3A] : memref<10240x128xf32, #tpu.memory_space<vmem_shared>> -> memref<640x128xf32, #tpu.memory_space<vmem_shared>>
      %dma_wait3A_17 = arith.constant 0 : i32
      %dma_wait3A_18 = tpu.memref_slice %arg2[%mul3A_4, %dma_wait3A_17] : memref<10240x128xf32, #tpu.memory_space<hbm>> -> memref<640x128xf32, #tpu.memory_space<hbm>>
      tpu.wait_dma2 semaphore(%run_scoped3A : memref<!tpu.dma_semaphore, #tpu.memory_space<semaphore_mem>>) src(%dma_wait3A_18 : memref<640x128xf32, #tpu.memory_space<hbm>>) dst(%dma_wait3A_16 : memref<640x128xf32, #tpu.memory_space<vmem_shared>>)
      tpu.yield
    }) : () -> ()
    "tpu.region"() ({
      %run_scoped3A = tpu.sem_alloc : memref<!tpu.dma_semaphore, #tpu.memory_space<semaphore_mem>>
      %dma_start3A = arith.constant 0 : i32
      %dma_start3A_13 = arith.constant 0 : i32
      %dma_start3A_14 = tpu.memref_slice %arg3[%add3A, %dma_start3A, %dma_start3A_13] : memref<32x100x100xi32, #tpu.memory_space<hbm>> -> memref<1x100x100xi32, #tpu.memory_space<hbm>>
      %dma_start3A_15 = tpu.memref_squeeze %dma_start3A_14 : memref<1x100x100xi32, #tpu.memory_space<hbm>> -> memref<100x100xi32, #tpu.memory_space<hbm>>
      %dma_start3A_16 = arith.constant 0 : i32
      %dma_start3A_17 = arith.constant 0 : i32
      %dma_start3A_18 = tpu.memref_slice %arg3[%add3A, %dma_start3A_16, %dma_start3A_17] : memref<32x100x100xi32, #tpu.memory_space<hbm>> -> memref<1x100x100xi32, #tpu.memory_space<hbm>>
      %dma_start3A_19 = tpu.memref_squeeze %dma_start3A_18 : memref<1x100x100xi32, #tpu.memory_space<hbm>> -> memref<100x100xi32, #tpu.memory_space<hbm>>
      tpu.enqueue_dma source(%dma_start3A_19 : memref<100x100xi32, #tpu.memory_space<hbm>>) target(%arg6 : memref<100x100xi32, #tpu.memory_space<vmem>>) target_semaphore(%run_scoped3A : memref<!tpu.dma_semaphore, #tpu.memory_space<semaphore_mem>>)
      %dma_wait3A = arith.constant 0 : i32
      %dma_wait3A_20 = arith.constant 0 : i32
      %dma_wait3A_21 = tpu.memref_slice %arg3[%add3A, %dma_wait3A, %dma_wait3A_20] : memref<32x100x100xi32, #tpu.memory_space<hbm>> -> memref<1x100x100xi32, #tpu.memory_space<hbm>>
      %dma_wait3A_22 = tpu.memref_squeeze %dma_wait3A_21 : memref<1x100x100xi32, #tpu.memory_space<hbm>> -> memref<100x100xi32, #tpu.memory_space<hbm>>
      %dma_wait3A_23 = arith.constant 0 : i32
      %dma_wait3A_24 = arith.constant 0 : i32
      %dma_wait3A_25 = tpu.memref_slice %arg3[%add3A, %dma_wait3A_23, %dma_wait3A_24] : memref<32x100x100xi32, #tpu.memory_space<hbm>> -> memref<1x100x100xi32, #tpu.memory_space<hbm>>
      %dma_wait3A_26 = tpu.memref_squeeze %dma_wait3A_25 : memref<1x100x100xi32, #tpu.memory_space<hbm>> -> memref<100x100xi32, #tpu.memory_space<hbm>>
      tpu.wait_dma2 semaphore(%run_scoped3A : memref<!tpu.dma_semaphore, #tpu.memory_space<semaphore_mem>>) src(%dma_wait3A_26 : memref<100x100xi32, #tpu.memory_space<hbm>>) dst(%arg6 : memref<100x100xi32, #tpu.memory_space<vmem>>)
      tpu.yield
    }) : () -> ()
    %barrier3A = arith.constant 0 : index
    tpu.barrier barrier_id(%barrier3A)
    %scan3A = arith.constant 0 : i32
    %scan3A_7 = arith.constant 0 : i32
    %scan3A_8 = arith.constant 50 : i32
    %scan3A_9 = arith.addi %scan3A_7, %scan3A_8 : i32
    %scan3A_10 = arith.constant 1 : i32
    %scan3A_11 = scf.for %scan3A_13 = %scan3A_7 to %scan3A_9 step %scan3A_10 iter_args(%scan3A_14 = %scan3A) -> (i32)  : i32 {
      %mul3A_15 = arith.constant 200 : i32
      %mul3A_16 = arith.muli %scan3A_13, %mul3A_15 : i32
      %add3A_17 = arith.addi %mul3A_2, %mul3A_16 : i32
      %mul3A_18 = arith.constant 2 : i32
      %mul3A_19 = arith.muli %scan3A_13, %mul3A_18 : i32
      %add3A_20 = arith.constant 0 : i32
      %add3A_21 = arith.addi %mul3A_19, %add3A_20 : i32
      "tpu.region"() ({
        %run_scoped3A = tpu.sem_alloc : memref<!tpu.dma_semaphore, #tpu.memory_space<semaphore_mem>>
        %dma_start3A = arith.constant 0 : i32
        %dma_start3A_27 = arith.constant 0 : i32
        %dma_start3A_28 = tpu.memref_slice %arg5[%dma_start3A, %dma_start3A_27] : memref<200x128xf32, #tpu.memory_space<vmem>> -> memref<100x128xf32, #tpu.memory_space<vmem>>
        %dma_start3A_29 = arith.constant 0 : i32
        %dma_start3A_30 = tpu.memref_slice %arg6[%add3A_21, %dma_start3A_29] : memref<100x100xi32, #tpu.memory_space<vmem>> -> memref<1x100xi32, #tpu.memory_space<vmem>>
        %dma_start3A_31 = tpu.memref_squeeze %dma_start3A_30 : memref<1x100xi32, #tpu.memory_space<vmem>> -> memref<100xi32, #tpu.memory_space<vmem>>
        %dma_start3A_32 = arith.constant 0 : i32
        %dma_start3A_33 = arith.constant 0 : i32
        %dma_start3A_34 = tpu.memref_slice %arg7[%dma_start3A_32, %dma_start3A_33] : memref<10240x128xf32, #tpu.memory_space<vmem_shared>> -> memref<10240x128xf32, #tpu.memory_space<vmem_shared>>
        tpu.enqueue_indirect_dma source(%dma_start3A_34 : memref<10240x128xf32, #tpu.memory_space<vmem_shared>>) target(%dma_start3A_28 : memref<100x128xf32, #tpu.memory_space<vmem>>) offsets(%dma_start3A_31 : memref<100xi32, #tpu.memory_space<vmem>>) semaphore(%run_scoped3A : memref<!tpu.dma_semaphore, #tpu.memory_space<semaphore_mem>>)
        %dma_wait3A = arith.constant 0 : i32
        %dma_wait3A_35 = arith.constant 0 : i32
        %dma_wait3A_36 = tpu.memref_slice %arg5[%dma_wait3A, %dma_wait3A_35] : memref<200x128xf32, #tpu.memory_space<vmem>> -> memref<100x128xf32, #tpu.memory_space<vmem>>
        %dma_wait3A_37 = arith.constant 0 : i32
        %dma_wait3A_38 = tpu.memref_slice %arg6[%add3A_21, %dma_wait3A_37] : memref<100x100xi32, #tpu.memory_space<vmem>> -> memref<1x100xi32, #tpu.memory_space<vmem>>
        %dma_wait3A_39 = tpu.memref_squeeze %dma_wait3A_38 : memref<1x100xi32, #tpu.memory_space<vmem>> -> memref<100xi32, #tpu.memory_space<vmem>>
        %dma_wait3A_40 = arith.constant 0 : i32
        %dma_wait3A_41 = arith.constant 0 : i32
        %dma_wait3A_42 = tpu.memref_slice %arg7[%dma_wait3A_40, %dma_wait3A_41] : memref<10240x128xf32, #tpu.memory_space<vmem_shared>> -> memref<10240x128xf32, #tpu.memory_space<vmem_shared>>
        tpu.wait_indirect_dma semaphore(%run_scoped3A : memref<!tpu.dma_semaphore, #tpu.memory_space<semaphore_mem>>) src(%dma_wait3A_42 : memref<10240x128xf32, #tpu.memory_space<vmem_shared>>) dst(%dma_wait3A_36 : memref<100x128xf32, #tpu.memory_space<vmem>>)
        tpu.yield
      }) : () -> ()
      %mul3A_22 = arith.constant 2 : i32
      %mul3A_23 = arith.muli %scan3A_13, %mul3A_22 : i32
      %add3A_24 = arith.constant 1 : i32
      %add3A_25 = arith.addi %mul3A_23, %add3A_24 : i32
      "tpu.region"() ({
        %run_scoped3A = tpu.sem_alloc : memref<!tpu.dma_semaphore, #tpu.memory_space<semaphore_mem>>
        %dma_start3A = arith.constant 100 : i32
        %dma_start3A_27 = arith.constant 0 : i32
        %dma_start3A_28 = tpu.memref_slice %arg5[%dma_start3A, %dma_start3A_27] : memref<200x128xf32, #tpu.memory_space<vmem>> -> memref<100x128xf32, #tpu.memory_space<vmem>>
        %dma_start3A_29 = arith.constant 0 : i32
        %dma_start3A_30 = tpu.memref_slice %arg6[%add3A_25, %dma_start3A_29] : memref<100x100xi32, #tpu.memory_space<vmem>> -> memref<1x100xi32, #tpu.memory_space<vmem>>
        %dma_start3A_31 = tpu.memref_squeeze %dma_start3A_30 : memref<1x100xi32, #tpu.memory_space<vmem>> -> memref<100xi32, #tpu.memory_space<vmem>>
        %dma_start3A_32 = arith.constant 0 : i32
        %dma_start3A_33 = arith.constant 0 : i32
        %dma_start3A_34 = tpu.memref_slice %arg7[%dma_start3A_32, %dma_start3A_33] : memref<10240x128xf32, #tpu.memory_space<vmem_shared>> -> memref<10240x128xf32, #tpu.memory_space<vmem_shared>>
        tpu.enqueue_indirect_dma source(%dma_start3A_34 : memref<10240x128xf32, #tpu.memory_space<vmem_shared>>) target(%dma_start3A_28 : memref<100x128xf32, #tpu.memory_space<vmem>>) offsets(%dma_start3A_31 : memref<100xi32, #tpu.memory_space<vmem>>) semaphore(%run_scoped3A : memref<!tpu.dma_semaphore, #tpu.memory_space<semaphore_mem>>)
        %dma_wait3A = arith.constant 100 : i32
        %dma_wait3A_35 = arith.constant 0 : i32
        %dma_wait3A_36 = tpu.memref_slice %arg5[%dma_wait3A, %dma_wait3A_35] : memref<200x128xf32, #tpu.memory_space<vmem>> -> memref<100x128xf32, #tpu.memory_space<vmem>>
        %dma_wait3A_37 = arith.constant 0 : i32
        %dma_wait3A_38 = tpu.memref_slice %arg6[%add3A_25, %dma_wait3A_37] : memref<100x100xi32, #tpu.memory_space<vmem>> -> memref<1x100xi32, #tpu.memory_space<vmem>>
        %dma_wait3A_39 = tpu.memref_squeeze %dma_wait3A_38 : memref<1x100xi32, #tpu.memory_space<vmem>> -> memref<100xi32, #tpu.memory_space<vmem>>
        %dma_wait3A_40 = arith.constant 0 : i32
        %dma_wait3A_41 = arith.constant 0 : i32
        %dma_wait3A_42 = tpu.memref_slice %arg7[%dma_wait3A_40, %dma_wait3A_41] : memref<10240x128xf32, #tpu.memory_space<vmem_shared>> -> memref<10240x128xf32, #tpu.memory_space<vmem_shared>>
        tpu.wait_indirect_dma semaphore(%run_scoped3A : memref<!tpu.dma_semaphore, #tpu.memory_space<semaphore_mem>>) src(%dma_wait3A_42 : memref<10240x128xf32, #tpu.memory_space<vmem_shared>>) dst(%dma_wait3A_36 : memref<100x128xf32, #tpu.memory_space<vmem>>)
        tpu.yield
      }) : () -> ()
      "tpu.region"() ({
        %run_scoped3A = tpu.sem_alloc : memref<!tpu.dma_semaphore, #tpu.memory_space<semaphore_mem>>
        %dma_start3A = arith.constant 0 : i32
        %dma_start3A_27 = tpu.memref_slice %arg4[%add3A_17, %dma_start3A] : memref<320000x128xf32, #tpu.memory_space<hbm>> -> memref<200x128xf32, #tpu.memory_space<hbm>>
        %dma_start3A_28 = arith.constant 0 : i32
        %dma_start3A_29 = tpu.memref_slice %arg4[%add3A_17, %dma_start3A_28] : memref<320000x128xf32, #tpu.memory_space<hbm>> -> memref<200x128xf32, #tpu.memory_space<hbm>>
        tpu.enqueue_dma source(%arg5 : memref<200x128xf32, #tpu.memory_space<vmem>>) target(%dma_start3A_29 : memref<200x128xf32, #tpu.memory_space<hbm>>) target_semaphore(%run_scoped3A : memref<!tpu.dma_semaphore, #tpu.memory_space<semaphore_mem>>)
        %dma_wait3A = arith.constant 0 : i32
        %dma_wait3A_30 = tpu.memref_slice %arg4[%add3A_17, %dma_wait3A] : memref<320000x128xf32, #tpu.memory_space<hbm>> -> memref<200x128xf32, #tpu.memory_space<hbm>>
        %dma_wait3A_31 = arith.constant 0 : i32
        %dma_wait3A_32 = tpu.memref_slice %arg4[%add3A_17, %dma_wait3A_31] : memref<320000x128xf32, #tpu.memory_space<hbm>> -> memref<200x128xf32, #tpu.memory_space<hbm>>
        tpu.wait_dma2 semaphore(%run_scoped3A : memref<!tpu.dma_semaphore, #tpu.memory_space<semaphore_mem>>) src(%arg5 : memref<200x128xf32, #tpu.memory_space<vmem>>) dst(%dma_wait3A_32 : memref<200x128xf32, #tpu.memory_space<hbm>>)
        tpu.yield
      }) : () -> ()
      %scan3A_26 = arith.constant 0 : i32
      scf.yield %scan3A_26 : i32
    }
    %scan3A_12 = arith.constant 50 : i32
    return
  }
}

#map = affine_map<(d0, d1) -> (0, 0)>
#map1 = affine_map<(d0, d1) -> (0, 0, 0)>
module attributes {stable_mosaic.version = 14 : i64} {
  func.func @_segsum_body(%arg0: i32, %arg1: i32, %arg2: memref<320000x128xf32, #tpu.memory_space<hbm>>, %arg3: memref<32x100x100xi32, #tpu.memory_space<hbm>>, %arg4: memref<2x10240x128xf32, #tpu.memory_space<hbm>>, %arg5: memref<200x128xf32, #tpu.memory_space<vmem>>, %arg6: memref<100x100xi32, #tpu.memory_space<vmem>>, %arg7: memref<10240x128xf32, #tpu.memory_space<vmem_shared>>) attributes {dimension_semantics = [#tpu.dimension_semantics<core_parallel>, #tpu.dimension_semantics<subcore_parallel>], iteration_bounds = array<i64: 2, 16>, scalar_prefetch = 0 : i64, scratch_operands = 3 : i64, tpu.core_type = #tpu.core_type<sc_vector_subcore>, window_params = [{transform_indices = #map}, {transform_indices = #map1}, {transform_indices = #map1}]} {
    %mul3A = arith.constant 16 : i32
    %mul3A_0 = arith.muli %arg0, %mul3A : i32
    %add3A = arith.addi %mul3A_0, %arg1 : i32
    %mul3A_1 = arith.constant 10000 : i32
    %mul3A_2 = arith.muli %add3A, %mul3A_1 : i32
    %broadcast_in_dim3A = arith.constant 0.000000e+00 : f32
    %broadcast_in_dim3A_3 = vector.broadcast %broadcast_in_dim3A : f32 to vector<16xf32>
    %scan3A = arith.constant 0 : i32
    %scan3A_4 = arith.constant 0 : i32
    %scan3A_5 = arith.constant 1024 : i32
    %scan3A_6 = arith.addi %scan3A_4, %scan3A_5 : i32
    %scan3A_7 = arith.constant 1 : i32
    %scan3A_8 = scf.for %scan3A_42 = %scan3A_4 to %scan3A_6 step %scan3A_7 iter_args(%scan3A_43 = %scan3A) -> (i32)  : i32 {
      %jit3A = arith.constant 8 : i32
      %div3A = arith.divsi %scan3A_42, %jit3A : i32
      %sign3A = arith.constant 0 : i32
      %sign3A_44 = arith.cmpi sgt, %scan3A_42, %sign3A : i32
      %sign3A_45 = arith.extui %sign3A_44 : i1 to i32
      %sign3A_46 = arith.constant 0 : i32
      %sign3A_47 = arith.cmpi slt, %scan3A_42, %sign3A_46 : i32
      %sign3A_48 = arith.extui %sign3A_47 : i1 to i32
      %sign3A_49 = arith.subi %sign3A_45, %sign3A_48 : i32
      %sign3A_50 = arith.constant 0 : i32
      %sign3A_51 = arith.cmpi sgt, %jit3A, %sign3A_50 : i32
      %sign3A_52 = arith.extui %sign3A_51 : i1 to i32
      %sign3A_53 = arith.constant 0 : i32
      %sign3A_54 = arith.cmpi slt, %jit3A, %sign3A_53 : i32
      %sign3A_55 = arith.extui %sign3A_54 : i1 to i32
      %sign3A_56 = arith.subi %sign3A_52, %sign3A_55 : i32
      %ne3A = arith.cmpi ne, %sign3A_49, %sign3A_56 : i32
      %rem3A = arith.remsi %scan3A_42, %jit3A : i32
      %ne3A_57 = arith.constant 0 : i32
      %ne3A_58 = arith.cmpi ne, %rem3A, %ne3A_57 : i32
      %and3A = arith.andi %ne3A, %ne3A_58 : i1
      %sub3A = arith.constant 1 : i32
      %sub3A_59 = arith.subi %div3A, %sub3A : i32
      %select_n3A = arith.select %and3A, %sub3A_59, %div3A : i32
      %jit3A_60 = arith.constant 8 : i32
      %eq3A = arith.constant 0 : i32
      %eq3A_61 = arith.cmpi eq, %jit3A_60, %eq3A : i32
      %jit3A_62 = arith.constant 1 : i32
      %select_n3A_63 = arith.select %eq3A_61, %jit3A_62, %jit3A_60 : i32
      %rem3A_64 = arith.remsi %scan3A_42, %select_n3A_63 : i32
      %ne3A_65 = arith.constant 0 : i32
      %ne3A_66 = arith.cmpi ne, %rem3A_64, %ne3A_65 : i32
      %lt3A = arith.constant 0 : i32
      %lt3A_67 = arith.cmpi slt, %rem3A_64, %lt3A : i32
      %lt3A_68 = arith.constant 0 : i32
      %lt3A_69 = arith.cmpi slt, %select_n3A_63, %lt3A_68 : i32
      %ne3A_70 = arith.xori %lt3A_67, %lt3A_69 : i1
      %and3A_71 = arith.andi %ne3A_70, %ne3A_66 : i1
      %add3A_72 = arith.addi %rem3A_64, %select_n3A_63 : i32
      %select_n3A_73 = arith.select %and3A_71, %add3A_72, %rem3A_64 : i32
      %mul3A_74 = arith.constant 16 : i32
      %mul3A_75 = arith.muli %select_n3A_73, %mul3A_74 : i32
      %swap3A = arith.index_cast %select_n3A : i32 to index
      %swap3A_76 = arith.index_cast %mul3A_75 : i32 to index
      %swap3A_77 = tpu.vector_load %arg5[%swap3A, %swap3A_76] {strides = array<i32>} : memref<200x128xf32, #tpu.memory_space<vmem>>, vector<1x16xf32>,
      %swap3A_78 = vector.shape_cast %swap3A_77 : vector<1x16xf32> to vector<16xf32>
      %swap3A_79 = vector.shape_cast %broadcast_in_dim3A_3 : vector<16xf32> to vector<1x16xf32>
      tpu.vector_store %arg5[%swap3A, %swap3A_76], %swap3A_79 {strides = array<i32>} : memref<200x128xf32, #tpu.memory_space<vmem>>, vector<1x16xf32>,
      %scan3A_80 = arith.constant 0 : i32
      scf.yield %scan3A_80 : i32
    }
    %scan3A_9 = arith.constant 1024 : i32
    %mul3A_10 = arith.constant 640 : i32
    %mul3A_11 = arith.muli %arg1, %mul3A_10 : i32
    %add3A_12 = arith.constant 0 : i32
    %add3A_13 = arith.addi %mul3A_11, %add3A_12 : i32
    "tpu.region"() ({
      %run_scoped3A = tpu.sem_alloc : memref<!tpu.dma_semaphore, #tpu.memory_space<semaphore_mem>>
      %dma_start3A = arith.constant 0 : i32
      %dma_start3A_42 = arith.constant 0 : i32
      %dma_start3A_43 = tpu.memref_slice %arg5[%dma_start3A, %dma_start3A_42] : memref<200x128xf32, #tpu.memory_space<vmem>> -> memref<128x128xf32, #tpu.memory_space<vmem>>
      %dma_start3A_44 = arith.constant 0 : i32
      %dma_start3A_45 = tpu.memref_slice %arg7[%add3A_13, %dma_start3A_44] : memref<10240x128xf32, #tpu.memory_space<vmem_shared>> -> memref<128x128xf32, #tpu.memory_space<vmem_shared>>
      %dma_start3A_46 = arith.constant 0 : i32
      %dma_start3A_47 = tpu.memref_slice %arg7[%add3A_13, %dma_start3A_46] : memref<10240x128xf32, #tpu.memory_space<vmem_shared>> -> memref<128x128xf32, #tpu.memory_space<vmem_shared>>
      %dma_start3A_48 = arith.constant 0 : i32
      %dma_start3A_49 = arith.constant 0 : i32
      %dma_start3A_50 = tpu.memref_slice %arg5[%dma_start3A_48, %dma_start3A_49] : memref<200x128xf32, #tpu.memory_space<vmem>> -> memref<128x128xf32, #tpu.memory_space<vmem>>
      tpu.enqueue_dma source(%dma_start3A_50 : memref<128x128xf32, #tpu.memory_space<vmem>>) target(%dma_start3A_47 : memref<128x128xf32, #tpu.memory_space<vmem_shared>>) target_semaphore(%run_scoped3A : memref<!tpu.dma_semaphore, #tpu.memory_space<semaphore_mem>>)
      %dma_wait3A = arith.constant 0 : i32
      %dma_wait3A_51 = arith.constant 0 : i32
      %dma_wait3A_52 = tpu.memref_slice %arg5[%dma_wait3A, %dma_wait3A_51] : memref<200x128xf32, #tpu.memory_space<vmem>> -> memref<128x128xf32, #tpu.memory_space<vmem>>
      %dma_wait3A_53 = arith.constant 0 : i32
      %dma_wait3A_54 = tpu.memref_slice %arg7[%add3A_13, %dma_wait3A_53] : memref<10240x128xf32, #tpu.memory_space<vmem_shared>> -> memref<128x128xf32, #tpu.memory_space<vmem_shared>>
      %dma_wait3A_55 = arith.constant 0 : i32
      %dma_wait3A_56 = tpu.memref_slice %arg7[%add3A_13, %dma_wait3A_55] : memref<10240x128xf32, #tpu.memory_space<vmem_shared>> -> memref<128x128xf32, #tpu.memory_space<vmem_shared>>
      %dma_wait3A_57 = arith.constant 0 : i32
      %dma_wait3A_58 = arith.constant 0 : i32
      %dma_wait3A_59 = tpu.memref_slice %arg5[%dma_wait3A_57, %dma_wait3A_58] : memref<200x128xf32, #tpu.memory_space<vmem>> -> memref<128x128xf32, #tpu.memory_space<vmem>>
      tpu.wait_dma2 semaphore(%run_scoped3A : memref<!tpu.dma_semaphore, #tpu.memory_space<semaphore_mem>>) src(%dma_wait3A_59 : memref<128x128xf32, #tpu.memory_space<vmem>>) dst(%dma_wait3A_56 : memref<128x128xf32, #tpu.memory_space<vmem_shared>>)
      tpu.yield
    }) : () -> ()
    %mul3A_14 = arith.constant 640 : i32
    %mul3A_15 = arith.muli %arg1, %mul3A_14 : i32
    %add3A_16 = arith.constant 128 : i32
    %add3A_17 = arith.addi %mul3A_15, %add3A_16 : i32
    "tpu.region"() ({
      %run_scoped3A = tpu.sem_alloc : memref<!tpu.dma_semaphore, #tpu.memory_space<semaphore_mem>>
      %dma_start3A = arith.constant 0 : i32
      %dma_start3A_42 = arith.constant 0 : i32
      %dma_start3A_43 = tpu.memref_slice %arg5[%dma_start3A, %dma_start3A_42] : memref<200x128xf32, #tpu.memory_space<vmem>> -> memref<128x128xf32, #tpu.memory_space<vmem>>
      %dma_start3A_44 = arith.constant 0 : i32
      %dma_start3A_45 = tpu.memref_slice %arg7[%add3A_17, %dma_start3A_44] : memref<10240x128xf32, #tpu.memory_space<vmem_shared>> -> memref<128x128xf32, #tpu.memory_space<vmem_shared>>
      %dma_start3A_46 = arith.constant 0 : i32
      %dma_start3A_47 = tpu.memref_slice %arg7[%add3A_17, %dma_start3A_46] : memref<10240x128xf32, #tpu.memory_space<vmem_shared>> -> memref<128x128xf32, #tpu.memory_space<vmem_shared>>
      %dma_start3A_48 = arith.constant 0 : i32
      %dma_start3A_49 = arith.constant 0 : i32
      %dma_start3A_50 = tpu.memref_slice %arg5[%dma_start3A_48, %dma_start3A_49] : memref<200x128xf32, #tpu.memory_space<vmem>> -> memref<128x128xf32, #tpu.memory_space<vmem>>
      tpu.enqueue_dma source(%dma_start3A_50 : memref<128x128xf32, #tpu.memory_space<vmem>>) target(%dma_start3A_47 : memref<128x128xf32, #tpu.memory_space<vmem_shared>>) target_semaphore(%run_scoped3A : memref<!tpu.dma_semaphore, #tpu.memory_space<semaphore_mem>>)
      %dma_wait3A = arith.constant 0 : i32
      %dma_wait3A_51 = arith.constant 0 : i32
      %dma_wait3A_52 = tpu.memref_slice %arg5[%dma_wait3A, %dma_wait3A_51] : memref<200x128xf32, #tpu.memory_space<vmem>> -> memref<128x128xf32, #tpu.memory_space<vmem>>
      %dma_wait3A_53 = arith.constant 0 : i32
      %dma_wait3A_54 = tpu.memref_slice %arg7[%add3A_17, %dma_wait3A_53] : memref<10240x128xf32, #tpu.memory_space<vmem_shared>> -> memref<128x128xf32, #tpu.memory_space<vmem_shared>>
      %dma_wait3A_55 = arith.constant 0 : i32
      %dma_wait3A_56 = tpu.memref_slice %arg7[%add3A_17, %dma_wait3A_55] : memref<10240x128xf32, #tpu.memory_space<vmem_shared>> -> memref<128x128xf32, #tpu.memory_space<vmem_shared>>
      %dma_wait3A_57 = arith.constant 0 : i32
      %dma_wait3A_58 = arith.constant 0 : i32
      %dma_wait3A_59 = tpu.memref_slice %arg5[%dma_wait3A_57, %dma_wait3A_58] : memref<200x128xf32, #tpu.memory_space<vmem>> -> memref<128x128xf32, #tpu.memory_space<vmem>>
      tpu.wait_dma2 semaphore(%run_scoped3A : memref<!tpu.dma_semaphore, #tpu.memory_space<semaphore_mem>>) src(%dma_wait3A_59 : memref<128x128xf32, #tpu.memory_space<vmem>>) dst(%dma_wait3A_56 : memref<128x128xf32, #tpu.memory_space<vmem_shared>>)
      tpu.yield
    }) : () -> ()
    %mul3A_18 = arith.constant 640 : i32
    %mul3A_19 = arith.muli %arg1, %mul3A_18 : i32
    %add3A_20 = arith.constant 256 : i32
    %add3A_21 = arith.addi %mul3A_19, %add3A_20 : i32
    "tpu.region"() ({
      %run_scoped3A = tpu.sem_alloc : memref<!tpu.dma_semaphore, #tpu.memory_space<semaphore_mem>>
      %dma_start3A = arith.constant 0 : i32
      %dma_start3A_42 = arith.constant 0 : i32
      %dma_start3A_43 = tpu.memref_slice %arg5[%dma_start3A, %dma_start3A_42] : memref<200x128xf32, #tpu.memory_space<vmem>> -> memref<128x128xf32, #tpu.memory_space<vmem>>
      %dma_start3A_44 = arith.constant 0 : i32
      %dma_start3A_45 = tpu.memref_slice %arg7[%add3A_21, %dma_start3A_44] : memref<10240x128xf32, #tpu.memory_space<vmem_shared>> -> memref<128x128xf32, #tpu.memory_space<vmem_shared>>
      %dma_start3A_46 = arith.constant 0 : i32
      %dma_start3A_47 = tpu.memref_slice %arg7[%add3A_21, %dma_start3A_46] : memref<10240x128xf32, #tpu.memory_space<vmem_shared>> -> memref<128x128xf32, #tpu.memory_space<vmem_shared>>
      %dma_start3A_48 = arith.constant 0 : i32
      %dma_start3A_49 = arith.constant 0 : i32
      %dma_start3A_50 = tpu.memref_slice %arg5[%dma_start3A_48, %dma_start3A_49] : memref<200x128xf32, #tpu.memory_space<vmem>> -> memref<128x128xf32, #tpu.memory_space<vmem>>
      tpu.enqueue_dma source(%dma_start3A_50 : memref<128x128xf32, #tpu.memory_space<vmem>>) target(%dma_start3A_47 : memref<128x128xf32, #tpu.memory_space<vmem_shared>>) target_semaphore(%run_scoped3A : memref<!tpu.dma_semaphore, #tpu.memory_space<semaphore_mem>>)
      %dma_wait3A = arith.constant 0 : i32
      %dma_wait3A_51 = arith.constant 0 : i32
      %dma_wait3A_52 = tpu.memref_slice %arg5[%dma_wait3A, %dma_wait3A_51] : memref<200x128xf32, #tpu.memory_space<vmem>> -> memref<128x128xf32, #tpu.memory_space<vmem>>
      %dma_wait3A_53 = arith.constant 0 : i32
      %dma_wait3A_54 = tpu.memref_slice %arg7[%add3A_21, %dma_wait3A_53] : memref<10240x128xf32, #tpu.memory_space<vmem_shared>> -> memref<128x128xf32, #tpu.memory_space<vmem_shared>>
      %dma_wait3A_55 = arith.constant 0 : i32
      %dma_wait3A_56 = tpu.memref_slice %arg7[%add3A_21, %dma_wait3A_55] : memref<10240x128xf32, #tpu.memory_space<vmem_shared>> -> memref<128x128xf32, #tpu.memory_space<vmem_shared>>
      %dma_wait3A_57 = arith.constant 0 : i32
      %dma_wait3A_58 = arith.constant 0 : i32
      %dma_wait3A_59 = tpu.memref_slice %arg5[%dma_wait3A_57, %dma_wait3A_58] : memref<200x128xf32, #tpu.memory_space<vmem>> -> memref<128x128xf32, #tpu.memory_space<vmem>>
      tpu.wait_dma2 semaphore(%run_scoped3A : memref<!tpu.dma_semaphore, #tpu.memory_space<semaphore_mem>>) src(%dma_wait3A_59 : memref<128x128xf32, #tpu.memory_space<vmem>>) dst(%dma_wait3A_56 : memref<128x128xf32, #tpu.memory_space<vmem_shared>>)
      tpu.yield
    }) : () -> ()
    %mul3A_22 = arith.constant 640 : i32
    %mul3A_23 = arith.muli %arg1, %mul3A_22 : i32
    %add3A_24 = arith.constant 384 : i32
    %add3A_25 = arith.addi %mul3A_23, %add3A_24 : i32
    "tpu.region"() ({
      %run_scoped3A = tpu.sem_alloc : memref<!tpu.dma_semaphore, #tpu.memory_space<semaphore_mem>>
      %dma_start3A = arith.constant 0 : i32
      %dma_start3A_42 = arith.constant 0 : i32
      %dma_start3A_43 = tpu.memref_slice %arg5[%dma_start3A, %dma_start3A_42] : memref<200x128xf32, #tpu.memory_space<vmem>> -> memref<128x128xf32, #tpu.memory_space<vmem>>
      %dma_start3A_44 = arith.constant 0 : i32
      %dma_start3A_45 = tpu.memref_slice %arg7[%add3A_25, %dma_start3A_44] : memref<10240x128xf32, #tpu.memory_space<vmem_shared>> -> memref<128x128xf32, #tpu.memory_space<vmem_shared>>
      %dma_start3A_46 = arith.constant 0 : i32
      %dma_start3A_47 = tpu.memref_slice %arg7[%add3A_25, %dma_start3A_46] : memref<10240x128xf32, #tpu.memory_space<vmem_shared>> -> memref<128x128xf32, #tpu.memory_space<vmem_shared>>
      %dma_start3A_48 = arith.constant 0 : i32
      %dma_start3A_49 = arith.constant 0 : i32
      %dma_start3A_50 = tpu.memref_slice %arg5[%dma_start3A_48, %dma_start3A_49] : memref<200x128xf32, #tpu.memory_space<vmem>> -> memref<128x128xf32, #tpu.memory_space<vmem>>
      tpu.enqueue_dma source(%dma_start3A_50 : memref<128x128xf32, #tpu.memory_space<vmem>>) target(%dma_start3A_47 : memref<128x128xf32, #tpu.memory_space<vmem_shared>>) target_semaphore(%run_scoped3A : memref<!tpu.dma_semaphore, #tpu.memory_space<semaphore_mem>>)
      %dma_wait3A = arith.constant 0 : i32
      %dma_wait3A_51 = arith.constant 0 : i32
      %dma_wait3A_52 = tpu.memref_slice %arg5[%dma_wait3A, %dma_wait3A_51] : memref<200x128xf32, #tpu.memory_space<vmem>> -> memref<128x128xf32, #tpu.memory_space<vmem>>
      %dma_wait3A_53 = arith.constant 0 : i32
      %dma_wait3A_54 = tpu.memref_slice %arg7[%add3A_25, %dma_wait3A_53] : memref<10240x128xf32, #tpu.memory_space<vmem_shared>> -> memref<128x128xf32, #tpu.memory_space<vmem_shared>>
      %dma_wait3A_55 = arith.constant 0 : i32
      %dma_wait3A_56 = tpu.memref_slice %arg7[%add3A_25, %dma_wait3A_55] : memref<10240x128xf32, #tpu.memory_space<vmem_shared>> -> memref<128x128xf32, #tpu.memory_space<vmem_shared>>
      %dma_wait3A_57 = arith.constant 0 : i32
      %dma_wait3A_58 = arith.constant 0 : i32
      %dma_wait3A_59 = tpu.memref_slice %arg5[%dma_wait3A_57, %dma_wait3A_58] : memref<200x128xf32, #tpu.memory_space<vmem>> -> memref<128x128xf32, #tpu.memory_space<vmem>>
      tpu.wait_dma2 semaphore(%run_scoped3A : memref<!tpu.dma_semaphore, #tpu.memory_space<semaphore_mem>>) src(%dma_wait3A_59 : memref<128x128xf32, #tpu.memory_space<vmem>>) dst(%dma_wait3A_56 : memref<128x128xf32, #tpu.memory_space<vmem_shared>>)
      tpu.yield
    }) : () -> ()
    %mul3A_26 = arith.constant 640 : i32
    %mul3A_27 = arith.muli %arg1, %mul3A_26 : i32
    %add3A_28 = arith.constant 512 : i32
    %add3A_29 = arith.addi %mul3A_27, %add3A_28 : i32
    "tpu.region"() ({
      %run_scoped3A = tpu.sem_alloc : memref<!tpu.dma_semaphore, #tpu.memory_space<semaphore_mem>>
      %dma_start3A = arith.constant 0 : i32
      %dma_start3A_42 = arith.constant 0 : i32
      %dma_start3A_43 = tpu.memref_slice %arg5[%dma_start3A, %dma_start3A_42] : memref<200x128xf32, #tpu.memory_space<vmem>> -> memref<128x128xf32, #tpu.memory_space<vmem>>
      %dma_start3A_44 = arith.constant 0 : i32
      %dma_start3A_45 = tpu.memref_slice %arg7[%add3A_29, %dma_start3A_44] : memref<10240x128xf32, #tpu.memory_space<vmem_shared>> -> memref<128x128xf32, #tpu.memory_space<vmem_shared>>
      %dma_start3A_46 = arith.constant 0 : i32
      %dma_start3A_47 = tpu.memref_slice %arg7[%add3A_29, %dma_start3A_46] : memref<10240x128xf32, #tpu.memory_space<vmem_shared>> -> memref<128x128xf32, #tpu.memory_space<vmem_shared>>
      %dma_start3A_48 = arith.constant 0 : i32
      %dma_start3A_49 = arith.constant 0 : i32
      %dma_start3A_50 = tpu.memref_slice %arg5[%dma_start3A_48, %dma_start3A_49] : memref<200x128xf32, #tpu.memory_space<vmem>> -> memref<128x128xf32, #tpu.memory_space<vmem>>
      tpu.enqueue_dma source(%dma_start3A_50 : memref<128x128xf32, #tpu.memory_space<vmem>>) target(%dma_start3A_47 : memref<128x128xf32, #tpu.memory_space<vmem_shared>>) target_semaphore(%run_scoped3A : memref<!tpu.dma_semaphore, #tpu.memory_space<semaphore_mem>>)
      %dma_wait3A = arith.constant 0 : i32
      %dma_wait3A_51 = arith.constant 0 : i32
      %dma_wait3A_52 = tpu.memref_slice %arg5[%dma_wait3A, %dma_wait3A_51] : memref<200x128xf32, #tpu.memory_space<vmem>> -> memref<128x128xf32, #tpu.memory_space<vmem>>
      %dma_wait3A_53 = arith.constant 0 : i32
      %dma_wait3A_54 = tpu.memref_slice %arg7[%add3A_29, %dma_wait3A_53] : memref<10240x128xf32, #tpu.memory_space<vmem_shared>> -> memref<128x128xf32, #tpu.memory_space<vmem_shared>>
      %dma_wait3A_55 = arith.constant 0 : i32
      %dma_wait3A_56 = tpu.memref_slice %arg7[%add3A_29, %dma_wait3A_55] : memref<10240x128xf32, #tpu.memory_space<vmem_shared>> -> memref<128x128xf32, #tpu.memory_space<vmem_shared>>
      %dma_wait3A_57 = arith.constant 0 : i32
      %dma_wait3A_58 = arith.constant 0 : i32
      %dma_wait3A_59 = tpu.memref_slice %arg5[%dma_wait3A_57, %dma_wait3A_58] : memref<200x128xf32, #tpu.memory_space<vmem>> -> memref<128x128xf32, #tpu.memory_space<vmem>>
      tpu.wait_dma2 semaphore(%run_scoped3A : memref<!tpu.dma_semaphore, #tpu.memory_space<semaphore_mem>>) src(%dma_wait3A_59 : memref<128x128xf32, #tpu.memory_space<vmem>>) dst(%dma_wait3A_56 : memref<128x128xf32, #tpu.memory_space<vmem_shared>>)
      tpu.yield
    }) : () -> ()
    "tpu.region"() ({
      %run_scoped3A = tpu.sem_alloc : memref<!tpu.dma_semaphore, #tpu.memory_space<semaphore_mem>>
      %dma_start3A = arith.constant 0 : i32
      %dma_start3A_42 = arith.constant 0 : i32
      %dma_start3A_43 = tpu.memref_slice %arg3[%add3A, %dma_start3A, %dma_start3A_42] : memref<32x100x100xi32, #tpu.memory_space<hbm>> -> memref<1x100x100xi32, #tpu.memory_space<hbm>>
      %dma_start3A_44 = tpu.memref_squeeze %dma_start3A_43 : memref<1x100x100xi32, #tpu.memory_space<hbm>> -> memref<100x100xi32, #tpu.memory_space<hbm>>
      %dma_start3A_45 = arith.constant 0 : i32
      %dma_start3A_46 = arith.constant 0 : i32
      %dma_start3A_47 = tpu.memref_slice %arg3[%add3A, %dma_start3A_45, %dma_start3A_46] : memref<32x100x100xi32, #tpu.memory_space<hbm>> -> memref<1x100x100xi32, #tpu.memory_space<hbm>>
      %dma_start3A_48 = tpu.memref_squeeze %dma_start3A_47 : memref<1x100x100xi32, #tpu.memory_space<hbm>> -> memref<100x100xi32, #tpu.memory_space<hbm>>
      tpu.enqueue_dma source(%dma_start3A_48 : memref<100x100xi32, #tpu.memory_space<hbm>>) target(%arg6 : memref<100x100xi32, #tpu.memory_space<vmem>>) target_semaphore(%run_scoped3A : memref<!tpu.dma_semaphore, #tpu.memory_space<semaphore_mem>>)
      %dma_wait3A = arith.constant 0 : i32
      %dma_wait3A_49 = arith.constant 0 : i32
      %dma_wait3A_50 = tpu.memref_slice %arg3[%add3A, %dma_wait3A, %dma_wait3A_49] : memref<32x100x100xi32, #tpu.memory_space<hbm>> -> memref<1x100x100xi32, #tpu.memory_space<hbm>>
      %dma_wait3A_51 = tpu.memref_squeeze %dma_wait3A_50 : memref<1x100x100xi32, #tpu.memory_space<hbm>> -> memref<100x100xi32, #tpu.memory_space<hbm>>
      %dma_wait3A_52 = arith.constant 0 : i32
      %dma_wait3A_53 = arith.constant 0 : i32
      %dma_wait3A_54 = tpu.memref_slice %arg3[%add3A, %dma_wait3A_52, %dma_wait3A_53] : memref<32x100x100xi32, #tpu.memory_space<hbm>> -> memref<1x100x100xi32, #tpu.memory_space<hbm>>
      %dma_wait3A_55 = tpu.memref_squeeze %dma_wait3A_54 : memref<1x100x100xi32, #tpu.memory_space<hbm>> -> memref<100x100xi32, #tpu.memory_space<hbm>>
      tpu.wait_dma2 semaphore(%run_scoped3A : memref<!tpu.dma_semaphore, #tpu.memory_space<semaphore_mem>>) src(%dma_wait3A_55 : memref<100x100xi32, #tpu.memory_space<hbm>>) dst(%arg6 : memref<100x100xi32, #tpu.memory_space<vmem>>)
      tpu.yield
    }) : () -> ()
    %barrier3A = arith.constant 0 : index
    tpu.barrier barrier_id(%barrier3A)
    %scan3A_30 = arith.constant 0 : i32
    %scan3A_31 = arith.constant 0 : i32
    %scan3A_32 = arith.constant 50 : i32
    %scan3A_33 = arith.addi %scan3A_31, %scan3A_32 : i32
    %scan3A_34 = arith.constant 1 : i32
    %scan3A_35 = scf.for %scan3A_42 = %scan3A_31 to %scan3A_33 step %scan3A_34 iter_args(%scan3A_43 = %scan3A_30) -> (i32)  : i32 {
      %mul3A_44 = arith.constant 200 : i32
      %mul3A_45 = arith.muli %scan3A_42, %mul3A_44 : i32
      %add3A_46 = arith.addi %mul3A_2, %mul3A_45 : i32
      "tpu.region"() ({
        %run_scoped3A = tpu.sem_alloc : memref<!tpu.dma_semaphore, #tpu.memory_space<semaphore_mem>>
        %dma_start3A = arith.constant 0 : i32
        %dma_start3A_56 = tpu.memref_slice %arg2[%add3A_46, %dma_start3A] : memref<320000x128xf32, #tpu.memory_space<hbm>> -> memref<200x128xf32, #tpu.memory_space<hbm>>
        %dma_start3A_57 = arith.constant 0 : i32
        %dma_start3A_58 = tpu.memref_slice %arg2[%add3A_46, %dma_start3A_57] : memref<320000x128xf32, #tpu.memory_space<hbm>> -> memref<200x128xf32, #tpu.memory_space<hbm>>
        tpu.enqueue_dma source(%dma_start3A_58 : memref<200x128xf32, #tpu.memory_space<hbm>>) target(%arg5 : memref<200x128xf32, #tpu.memory_space<vmem>>) target_semaphore(%run_scoped3A : memref<!tpu.dma_semaphore, #tpu.memory_space<semaphore_mem>>)
        %dma_wait3A = arith.constant 0 : i32
        %dma_wait3A_59 = tpu.memref_slice %arg2[%add3A_46, %dma_wait3A] : memref<320000x128xf32, #tpu.memory_space<hbm>> -> memref<200x128xf32, #tpu.memory_space<hbm>>
        %dma_wait3A_60 = arith.constant 0 : i32
        %dma_wait3A_61 = tpu.memref_slice %arg2[%add3A_46, %dma_wait3A_60] : memref<320000x128xf32, #tpu.memory_space<hbm>> -> memref<200x128xf32, #tpu.memory_space<hbm>>
        tpu.wait_dma2 semaphore(%run_scoped3A : memref<!tpu.dma_semaphore, #tpu.memory_space<semaphore_mem>>) src(%dma_wait3A_61 : memref<200x128xf32, #tpu.memory_space<hbm>>) dst(%arg5 : memref<200x128xf32, #tpu.memory_space<vmem>>)
        tpu.yield
      }) : () -> ()
      %mul3A_47 = arith.constant 2 : i32
      %mul3A_48 = arith.muli %scan3A_42, %mul3A_47 : i32
      %add3A_49 = arith.constant 0 : i32
      %add3A_50 = arith.addi %mul3A_48, %add3A_49 : i32
      "tpu.region"() ({
        %run_scoped3A = tpu.sem_alloc : memref<!tpu.dma_semaphore, #tpu.memory_space<semaphore_mem>>
        %dma_start3A = arith.constant 0 : i32
        %dma_start3A_56 = arith.constant 0 : i32
        %dma_start3A_57 = tpu.memref_slice %arg5[%dma_start3A, %dma_start3A_56] : memref<200x128xf32, #tpu.memory_space<vmem>> -> memref<100x128xf32, #tpu.memory_space<vmem>>
        %dma_start3A_58 = arith.constant 0 : i32
        %dma_start3A_59 = tpu.memref_slice %arg6[%add3A_50, %dma_start3A_58] : memref<100x100xi32, #tpu.memory_space<vmem>> -> memref<1x100xi32, #tpu.memory_space<vmem>>
        %dma_start3A_60 = tpu.memref_squeeze %dma_start3A_59 : memref<1x100xi32, #tpu.memory_space<vmem>> -> memref<100xi32, #tpu.memory_space<vmem>>
        %dma_start3A_61 = arith.constant 0 : i32
        %dma_start3A_62 = arith.constant 0 : i32
        %dma_start3A_63 = tpu.memref_slice %arg7[%dma_start3A_61, %dma_start3A_62] : memref<10240x128xf32, #tpu.memory_space<vmem_shared>> -> memref<10240x128xf32, #tpu.memory_space<vmem_shared>>
        tpu.enqueue_indirect_dma source(%dma_start3A_57 : memref<100x128xf32, #tpu.memory_space<vmem>>) target(%dma_start3A_63 : memref<10240x128xf32, #tpu.memory_space<vmem_shared>>) offsets(%dma_start3A_60 : memref<100xi32, #tpu.memory_space<vmem>>) semaphore(%run_scoped3A : memref<!tpu.dma_semaphore, #tpu.memory_space<semaphore_mem>>) {add = true}
        %dma_wait3A = arith.constant 0 : i32
        %dma_wait3A_64 = arith.constant 0 : i32
        %dma_wait3A_65 = tpu.memref_slice %arg5[%dma_wait3A, %dma_wait3A_64] : memref<200x128xf32, #tpu.memory_space<vmem>> -> memref<100x128xf32, #tpu.memory_space<vmem>>
        %dma_wait3A_66 = arith.constant 0 : i32
        %dma_wait3A_67 = tpu.memref_slice %arg6[%add3A_50, %dma_wait3A_66] : memref<100x100xi32, #tpu.memory_space<vmem>> -> memref<1x100xi32, #tpu.memory_space<vmem>>
        %dma_wait3A_68 = tpu.memref_squeeze %dma_wait3A_67 : memref<1x100xi32, #tpu.memory_space<vmem>> -> memref<100xi32, #tpu.memory_space<vmem>>
        %dma_wait3A_69 = arith.constant 0 : i32
        %dma_wait3A_70 = arith.constant 0 : i32
        %dma_wait3A_71 = tpu.memref_slice %arg7[%dma_wait3A_69, %dma_wait3A_70] : memref<10240x128xf32, #tpu.memory_space<vmem_shared>> -> memref<10240x128xf32, #tpu.memory_space<vmem_shared>>
        tpu.wait_indirect_dma semaphore(%run_scoped3A : memref<!tpu.dma_semaphore, #tpu.memory_space<semaphore_mem>>) src(%dma_wait3A_65 : memref<100x128xf32, #tpu.memory_space<vmem>>) dst(%dma_wait3A_71 : memref<10240x128xf32, #tpu.memory_space<vmem_shared>>)
        tpu.yield
      }) : () -> ()
      %mul3A_51 = arith.constant 2 : i32
      %mul3A_52 = arith.muli %scan3A_42, %mul3A_51 : i32
      %add3A_53 = arith.constant 1 : i32
      %add3A_54 = arith.addi %mul3A_52, %add3A_53 : i32
      "tpu.region"() ({
        %run_scoped3A = tpu.sem_alloc : memref<!tpu.dma_semaphore, #tpu.memory_space<semaphore_mem>>
        %dma_start3A = arith.constant 100 : i32
        %dma_start3A_56 = arith.constant 0 : i32
        %dma_start3A_57 = tpu.memref_slice %arg5[%dma_start3A, %dma_start3A_56] : memref<200x128xf32, #tpu.memory_space<vmem>> -> memref<100x128xf32, #tpu.memory_space<vmem>>
        %dma_start3A_58 = arith.constant 0 : i32
        %dma_start3A_59 = tpu.memref_slice %arg6[%add3A_54, %dma_start3A_58] : memref<100x100xi32, #tpu.memory_space<vmem>> -> memref<1x100xi32, #tpu.memory_space<vmem>>
        %dma_start3A_60 = tpu.memref_squeeze %dma_start3A_59 : memref<1x100xi32, #tpu.memory_space<vmem>> -> memref<100xi32, #tpu.memory_space<vmem>>
        %dma_start3A_61 = arith.constant 0 : i32
        %dma_start3A_62 = arith.constant 0 : i32
        %dma_start3A_63 = tpu.memref_slice %arg7[%dma_start3A_61, %dma_start3A_62] : memref<10240x128xf32, #tpu.memory_space<vmem_shared>> -> memref<10240x128xf32, #tpu.memory_space<vmem_shared>>
        tpu.enqueue_indirect_dma source(%dma_start3A_57 : memref<100x128xf32, #tpu.memory_space<vmem>>) target(%dma_start3A_63 : memref<10240x128xf32, #tpu.memory_space<vmem_shared>>) offsets(%dma_start3A_60 : memref<100xi32, #tpu.memory_space<vmem>>) semaphore(%run_scoped3A : memref<!tpu.dma_semaphore, #tpu.memory_space<semaphore_mem>>) {add = true}
        %dma_wait3A = arith.constant 100 : i32
        %dma_wait3A_64 = arith.constant 0 : i32
        %dma_wait3A_65 = tpu.memref_slice %arg5[%dma_wait3A, %dma_wait3A_64] : memref<200x128xf32, #tpu.memory_space<vmem>> -> memref<100x128xf32, #tpu.memory_space<vmem>>
        %dma_wait3A_66 = arith.constant 0 : i32
        %dma_wait3A_67 = tpu.memref_slice %arg6[%add3A_54, %dma_wait3A_66] : memref<100x100xi32, #tpu.memory_space<vmem>> -> memref<1x100xi32, #tpu.memory_space<vmem>>
        %dma_wait3A_68 = tpu.memref_squeeze %dma_wait3A_67 : memref<1x100xi32, #tpu.memory_space<vmem>> -> memref<100xi32, #tpu.memory_space<vmem>>
        %dma_wait3A_69 = arith.constant 0 : i32
        %dma_wait3A_70 = arith.constant 0 : i32
        %dma_wait3A_71 = tpu.memref_slice %arg7[%dma_wait3A_69, %dma_wait3A_70] : memref<10240x128xf32, #tpu.memory_space<vmem_shared>> -> memref<10240x128xf32, #tpu.memory_space<vmem_shared>>
        tpu.wait_indirect_dma semaphore(%run_scoped3A : memref<!tpu.dma_semaphore, #tpu.memory_space<semaphore_mem>>) src(%dma_wait3A_65 : memref<100x128xf32, #tpu.memory_space<vmem>>) dst(%dma_wait3A_71 : memref<10240x128xf32, #tpu.memory_space<vmem_shared>>)
        tpu.yield
      }) : () -> ()
      %scan3A_55 = arith.constant 0 : i32
      scf.yield %scan3A_55 : i32
    }
    %scan3A_36 = arith.constant 50 : i32
    %barrier3A_37 = arith.constant 0 : index
    tpu.barrier barrier_id(%barrier3A_37)
    %mul3A_38 = arith.constant 640 : i32
    %mul3A_39 = arith.muli %arg1, %mul3A_38 : i32
    %mul3A_40 = arith.constant 640 : i32
    %mul3A_41 = arith.muli %arg1, %mul3A_40 : i32
    "tpu.region"() ({
      %run_scoped3A = tpu.sem_alloc : memref<!tpu.dma_semaphore, #tpu.memory_space<semaphore_mem>>
      %dma_start3A = arith.constant 0 : i32
      %dma_start3A_42 = tpu.memref_slice %arg4[%arg0, %mul3A_41, %dma_start3A] : memref<2x10240x128xf32, #tpu.memory_space<hbm>> -> memref<1x640x128xf32, #tpu.memory_space<hbm>>
      %dma_start3A_43 = tpu.memref_squeeze %dma_start3A_42 : memref<1x640x128xf32, #tpu.memory_space<hbm>> -> memref<640x128xf32, #tpu.memory_space<hbm>>
      %dma_start3A_44 = arith.constant 0 : i32
      %dma_start3A_45 = tpu.memref_slice %arg7[%mul3A_39, %dma_start3A_44] : memref<10240x128xf32, #tpu.memory_space<vmem_shared>> -> memref<640x128xf32, #tpu.memory_space<vmem_shared>>
      tpu.enqueue_dma source(%dma_start3A_45 : memref<640x128xf32, #tpu.memory_space<vmem_shared>>) target(%dma_start3A_43 : memref<640x128xf32, #tpu.memory_space<hbm>>) target_semaphore(%run_scoped3A : memref<!tpu.dma_semaphore, #tpu.memory_space<semaphore_mem>>)
      %dma_wait3A = arith.constant 0 : i32
      %dma_wait3A_46 = tpu.memref_slice %arg4[%arg0, %mul3A_41, %dma_wait3A] : memref<2x10240x128xf32, #tpu.memory_space<hbm>> -> memref<1x640x128xf32, #tpu.memory_space<hbm>>
      %dma_wait3A_47 = tpu.memref_squeeze %dma_wait3A_46 : memref<1x640x128xf32, #tpu.memory_space<hbm>> -> memref<640x128xf32, #tpu.memory_space<hbm>>
      %dma_wait3A_48 = arith.constant 0 : i32
      %dma_wait3A_49 = tpu.memref_slice %arg7[%mul3A_39, %dma_wait3A_48] : memref<10240x128xf32, #tpu.memory_space<vmem_shared>> -> memref<640x128xf32, #tpu.memory_space<vmem_shared>>
      tpu.wait_dma2 semaphore(%run_scoped3A : memref<!tpu.dma_semaphore, #tpu.memory_space<semaphore_mem>>) src(%dma_wait3A_49 : memref<640x128xf32, #tpu.memory_space<vmem_shared>>) dst(%dma_wait3A_47 : memref<640x128xf32, #tpu.memory_space<hbm>>)
      tpu.yield
    }) : () -> ()
    return
  }
}

module attributes {stable_mosaic.version = 14 : i64} {
  func.func @_gamma_body(%arg0: i32, %arg1: memref<512x128xf32, #tpu.memory_space<vmem>>, %arg2: memref<512x128xf32, #tpu.memory_space<vmem>>, %arg3: memref<128x128xf32, #tpu.memory_space<vmem>>, %arg4: memref<1x128xf32, #tpu.memory_space<vmem>>, %arg5: memref<512x128xf32, #tpu.memory_space<vmem>>) attributes {dimension_semantics = [#tpu.dimension_semantics<arbitrary>], iteration_bounds = array<i64: 625>, scalar_prefetch = 0 : i64, scratch_operands = 0 : i64, tpu.core_type = #tpu.core_type<tc>, window_params = [{transform_indices = @transform_0, window_bounds = array<i64: 512, 128>}, {transform_indices = @transform_1, window_bounds = array<i64: 512, 128>}, {pipeline_mode = #tpu.pipeline_mode<synchronous>, transform_indices = @transform_2, window_bounds = array<i64: 128, 128>}, {pipeline_mode = #tpu.pipeline_mode<synchronous>, transform_indices = @transform_3, window_bounds = array<i64: 1, 128>}, {transform_indices = @transform_4, window_bounds = array<i64: 512, 128>}]} {
    %get3A = arith.constant 0 : index
    %get3A_0 = arith.constant 0 : index
    %get3A_1 = vector.load %arg1[%get3A, %get3A_0] : memref<512x128xf32, #tpu.memory_space<vmem>>, vector<512x128xf32>
    %get3A_2 = arith.constant 0 : index
    %get3A_3 = arith.constant 0 : index
    %get3A_4 = vector.load %arg3[%get3A_2, %get3A_3] : memref<128x128xf32, #tpu.memory_space<vmem>>, vector<128x128xf32>
    %dot_general3A = arith.constant dense<0.000000e+00> : vector<512x128xf32>
    %dot_general3A_5 = tpu.matmul %get3A_1, %get3A_4, %dot_general3A {dimension_numbers = #tpu.dot_dimension_numbers<[1], [1], [0], [0], [0, 0, 1, 0], [], []>, transpose_lhs_hint = false} : vector<512x128xf32>, vector<128x128xf32>, vector<512x128xf32> -> vector<512x128xf32>
    %get3A_6 = arith.constant 0 : index
    %get3A_7 = arith.constant 0 : index
    %get3A_8 = vector.load %arg4[%get3A_6, %get3A_7] : memref<1x128xf32, #tpu.memory_space<vmem>>, vector<1x128xf32>
    %add3A = vector.broadcast %get3A_8 : vector<1x128xf32> to vector<512x128xf32>
    %add3A_9 = arith.addf %dot_general3A_5, %add3A : vector<512x128xf32>
    %get3A_10 = arith.constant 0 : index
    %get3A_11 = arith.constant 0 : index
    %get3A_12 = vector.load %arg2[%get3A_10, %get3A_11] : memref<512x128xf32, #tpu.memory_space<vmem>>, vector<512x128xf32>
    %sub3A = arith.subf %add3A_9, %get3A_12 : vector<512x128xf32>
    %swap3A = arith.constant 0 : index
    %swap3A_13 = arith.constant 0 : index
    %swap3A_14 = vector.load %arg5[%swap3A, %swap3A_13] : memref<512x128xf32, #tpu.memory_space<vmem>>, vector<512x128xf32>
    tpu.vector_store %arg5[%swap3A, %swap3A_13], %sub3A {strides = array<i32>} : memref<512x128xf32, #tpu.memory_space<vmem>>, vector<512x128xf32>,
    return
  }
  func.func @transform_0(%arg0: i32) -> (i32, i32) {
    %c0_i32 = arith.constant 0 : i32
    %c0_i32_0 = arith.constant 0 : i32
    return %arg0, %c0_i32 : i32, i32
  }
  func.func @transform_1(%arg0: i32) -> (i32, i32) {
    %c0_i32 = arith.constant 0 : i32
    %c0_i32_0 = arith.constant 0 : i32
    return %arg0, %c0_i32 : i32, i32
  }
  func.func @transform_2(%arg0: i32) -> (i32, i32) {
    %c0_i32 = arith.constant 0 : i32
    %c0_i32_0 = arith.constant 0 : i32
    %c0_i32_1 = arith.constant 0 : i32
    return %c0_i32, %c0_i32_0 : i32, i32
  }
  func.func @transform_3(%arg0: i32) -> (i32, i32) {
    %c0_i32 = arith.constant 0 : i32
    %c0_i32_0 = arith.constant 0 : i32
    %c0_i32_1 = arith.constant 0 : i32
    return %c0_i32, %c0_i32_0 : i32, i32
  }
  func.func @transform_4(%arg0: i32) -> (i32, i32) {
    %c0_i32 = arith.constant 0 : i32
    %c0_i32_0 = arith.constant 0 : i32
    return %arg0, %c0_i32 : i32, i32
  }
}

module attributes {stable_mosaic.version = 14 : i64} {
  func.func @_lambda_body(%arg0: i32, %arg1: memref<2x1024x128xf32, #tpu.memory_space<vmem>>, %arg2: memref<128x128xf32, #tpu.memory_space<vmem>>, %arg3: memref<1024x128xf32, #tpu.memory_space<vmem>>) attributes {dimension_semantics = [#tpu.dimension_semantics<arbitrary>], iteration_bounds = array<i64: 10>, scalar_prefetch = 0 : i64, scratch_operands = 0 : i64, tpu.core_type = #tpu.core_type<tc>, window_params = [{transform_indices = @transform_0, window_bounds = array<i64: 2, 1024, 128>}, {pipeline_mode = #tpu.pipeline_mode<synchronous>, transform_indices = @transform_1, window_bounds = array<i64: 128, 128>}, {transform_indices = @transform_2, window_bounds = array<i64: 1024, 128>}]} {
    %get3A = arith.constant 0 : index
    %get3A_0 = arith.constant 0 : index
    %get3A_1 = arith.constant 0 : index
    %get3A_2 = vector.load %arg1[%get3A, %get3A_0, %get3A_1] : memref<2x1024x128xf32, #tpu.memory_space<vmem>>, vector<1x1024x128xf32>
    %get3A_3 = vector.shape_cast %get3A_2 : vector<1x1024x128xf32> to vector<1024x128xf32>
    %get3A_4 = arith.constant 1 : index
    %get3A_5 = arith.constant 0 : index
    %get3A_6 = arith.constant 0 : index
    %get3A_7 = vector.load %arg1[%get3A_4, %get3A_5, %get3A_6] : memref<2x1024x128xf32, #tpu.memory_space<vmem>>, vector<1x1024x128xf32>
    %get3A_8 = vector.shape_cast %get3A_7 : vector<1x1024x128xf32> to vector<1024x128xf32>
    %add3A = arith.addf %get3A_3, %get3A_8 : vector<1024x128xf32>
    %get3A_9 = arith.constant 0 : index
    %get3A_10 = arith.constant 0 : index
    %get3A_11 = vector.load %arg2[%get3A_9, %get3A_10] : memref<128x128xf32, #tpu.memory_space<vmem>>, vector<128x128xf32>
    %dot_general3A = arith.constant dense<0.000000e+00> : vector<1024x128xf32>
    %dot_general3A_12 = tpu.matmul %add3A, %get3A_11, %dot_general3A {dimension_numbers = #tpu.dot_dimension_numbers<[1], [1], [0], [0], [0, 0, 1, 0], [], []>, transpose_lhs_hint = false} : vector<1024x128xf32>, vector<128x128xf32>, vector<1024x128xf32> -> vector<1024x128xf32>
    %swap3A = arith.constant 0 : index
    %swap3A_13 = arith.constant 0 : index
    %swap3A_14 = vector.load %arg3[%swap3A, %swap3A_13] : memref<1024x128xf32, #tpu.memory_space<vmem>>, vector<1024x128xf32>
    tpu.vector_store %arg3[%swap3A, %swap3A_13], %dot_general3A_12 {strides = array<i32>} : memref<1024x128xf32, #tpu.memory_space<vmem>>, vector<1024x128xf32>,
    return
  }
  func.func @transform_0(%arg0: i32) -> (i32, i32, i32) {
    %c0_i32 = arith.constant 0 : i32
    %c0_i32_0 = arith.constant 0 : i32
    %c0_i32_1 = arith.constant 0 : i32
    return %c0_i32, %arg0, %c0_i32_0 : i32, i32, i32
  }
  func.func @transform_1(%arg0: i32) -> (i32, i32) {
    %c0_i32 = arith.constant 0 : i32
    %c0_i32_0 = arith.constant 0 : i32
    %c0_i32_1 = arith.constant 0 : i32
    return %c0_i32, %c0_i32_0 : i32, i32
  }
  func.func @transform_2(%arg0: i32) -> (i32, i32) {
    %c0_i32 = arith.constant 0 : i32
    %c0_i32_0 = arith.constant 0 : i32
    return %arg0, %c0_i32 : i32, i32
  }
}

</mosaic_0001>

<sc_bundles>
// kernel: kernel.6.cloned.1.call-start
scs
__scs_entry_jumppad:
0x0: {  	(pc) =	sbr.rel $0x88, $3  }
0x1: {  	(tag) =	ssettag $0x0;
	lr =	simm.s32 $0x1  }
0x2: {  	[smem:$0x3F9C] =	sst lr;
	_ =	strace $0xD0000000  }
0x3: {  	_ = 	snop  }
0x4: {  	_ = 	snop  }
0x5: {  	_ = 	snop  }
0x6: {  	_ = 	snop  }
0x7: {  	_ = 	snop  }
__scs_overlays_trampoline_lowered:
0x8: {  	[smem:$0x3FAB] =	sst s0  }
0x9: {  	[smem:$0x3FAC] =	sst s1  }
0xa: {  	[smem:$0x3FAD] =	sst s2  }
0xb: {  	[smem:$0x3FAE] =	sst s3  }
0xc: {  	[smem:$0x3FAF] =	sst s4  }
0xd: {  	[smem:$0x3FB0] =	sst s5  }
0xe: {  	[smem:$0x3FB1] =	sst s6  }
0xf: {  	[smem:$0x3FB2] =	sst s7  }
0x10: {  	[smem:$0x3FB3] =	sst s8  }
0x11: {  	[smem:$0x3FB4] =	sst s9;
	s0 =	simm.s32 @!p0 $0x0  }
0x12: {  	s1 =	sld [smem:$0x3F9A];
	s0 =	simm.s32 @p0 $0x1  }
0x13: {  	[smem:$0x3FB5] =	sst s0;
	s0 =	simm.s32 @!p1 $0x0  }
0x14: {  	s2 =	sld [smem:$0x3F99];
	s0 =	simm.s32 @p1 $0x1  }
0x15: {  	[smem:$0x3FB6] =	sst s0;
	s0 =	simm.s32 @!p2 $0x0  }
0x16: {  	s3 =	sld [smem:$0x3FDB];
	s0 =	simm.s32 @p2 $0x1  }
0x17: {  	s4 =	simm.s32 $0x1BF5;
	[smem:$0x3FB8] =	sst s0  }
0x18: {  	s0 =	sld [smem:$0x3F9B];
	_ =	swait.ge [sflag:s4], $0x0  }
0x19: {  	s7 =	sld [smem:$0x3F9C]  }
0x1a: {  	s8 =	sadd.s32 $0xFFFFE003, lr  }
0x1b: {  	s9 =	sadd.s32 $0xFFFFFEF7, lr;
	s5 =	simm.s32 $0xFFFFFFFF;
	p2 =	slt.u32 s8, $0xFFFFF086  }
0x1c: {  	p1 =	slt.u32 s9, $0xF7A;
	s5 =	simm.s32 @!p2 $0x0  }
0x1d: {  	s5 =	simm.s32 @p1 $0x1;
	p0 =	seq.s32 s7, s2  }
0x1e: {  	s7 =	smul.u32 @!p0 $0xF7A, s2;
	p2 =	seq.s32 @!p0 s5, $0x0  }
0x1f: {  	s9 =	smul.u32 $0xF7A, s1;
	s8 =	simm.s32 @!p0 $0x1BF5;
	p2 =	por !p2, p0  }
0x20: {  	[sflag:s8] =	ssyncset.s32 @!p0 $0xFFFFF086;
	s6 =	sadd.s32 @!p0 s3, s7;
	s7 =	simm.s32 @!p0 $0x108  }
0x21: {  	s3 =	sadd.s32 s3, s9;
	s6 =	sadd.s32 @!p0 $0x88, s6;
	s7 =	simm.s32 @p2 $0x1082  }
0x22: {  	[simem:s7], [sflag:s8] =	dma.local @!p0 [hbm:s6], $0xF7A  }
0x23: {  	s9 =	sor.u32 $0xD0000000, s2;
	s6 =	simm.s32 $0x108;
	_ =	swait.ge @!p0 [sflag:s8], $0x0  }
0x24: {  	s3 =	sadd.s32 $0x88, s3;
	s6 =	simm.s32 @!p1 $0x1082;
	[sflag:s4] =	ssyncset.s32 $0xFFFFF086  }
0x25: {  	[simem:s6], [sflag:s4] =	dma.local [hbm:s3], $0xF7A  }
0x26: {  	[smem:$0x3F9C] =	sst s1;
	(tag) =	ssettag s2;
	_ =	strace s9  }
0x27: {  	s1 =	sld [smem:$0x3FAC]  }
0x28: {  	s2 =	sld [smem:$0x3FAD]  }
0x29: {  	s4 =	sld [smem:$0x3FAF]  }
0x2a: {  	p0 =	seq.s32 s5, $0x0;
	s5 =	sld [smem:$0x3FB0]  }
0x2b: {  	s6 =	sld [smem:$0x3FB1]  }
0x2c: {  	s7 =	sld [smem:$0x3FB2]  }
0x2d: {  	s3 =	simm.s32 $0x108;
	s8 =	sld [smem:$0x3FB3]  }
0x2e: {  	s3 =	simm.s32 @!p0 $0x1082;
	s9 =	sld [smem:$0x3FB4]  }
0x2f: {  	lr =	sadd.s32 s0, s3;
	s0 =	sld [smem:$0x3FAB]  }
0x30: {  	s3 =	sld [smem:$0x3FAE]  }
0x31: {  	[smem:$0x3FB7] =	sst s10  }
0x32: {  	s10 =	sld [smem:$0x3FB5];
	_ =	sdelay $0x3  }
0x33: {  	p0 =	seq.s32 s10, $0x1;
	s10 =	sld [smem:$0x3FB7];
	_ =	sdelay $0x3  }
0x34: {  	[smem:$0x3FB7] =	sst s10  }
0x35: {  	s10 =	sld [smem:$0x3FB6];
	_ =	sdelay $0x3  }
0x36: {  	p1 =	seq.s32 s10, $0x1;
	s10 =	sld [smem:$0x3FB7];
	_ =	sdelay $0x3  }
0x37: {  	[smem:$0x3FB7] =	sst s10  }
0x38: {  	s10 =	sld [smem:$0x3FB8]  }
0x39: {  	_ = 	snop;
	(pc) =	sbr.ind lr, $3  }
0x3a: {  	_ = 	snop  }
0x3b: {  	_ = 	snop  }
0x3c: {  	p2 =	seq.s32 s10, $0x1;
	s10 =	sld [smem:$0x3FB7]  }
0x3d: {  	_ =	shalt  }
0x3e: {  	_ =	shalt  }
0x3f: {  	_ =	shalt  }
0x40: {  	_ =	shalt  }
0x41: {  	_ =	shalt  }
0x42: {  	_ =	shalt  }
0x43: {  	_ =	shalt  }
0x44: {  	_ =	shalt  }
0x45: {  	_ =	shalt  }
0x46: {  	_ =	shalt  }
0x47: {  	_ =	shalt  }
0x48: {  	_ =	shalt  }
0x49: {  	_ =	shalt  }
0x4a: {  	_ =	shalt  }
0x4b: {  	_ =	shalt  }
0x4c: {  	_ =	shalt  }
0x4d: {  	_ =	shalt  }
0x4e: {  	_ =	shalt  }
0x4f: {  	_ =	shalt  }
0x50: {  	_ =	shalt  }
0x51: {  	_ =	shalt  }
0x52: {  	_ =	shalt  }
0x53: {  	_ =	shalt  }
0x54: {  	_ =	shalt  }
0x55: {  	_ =	shalt  }
0x56: {  	_ =	shalt  }
0x57: {  	_ =	shalt  }
0x58: {  	_ =	shalt  }
0x59: {  	_ =	shalt  }
0x5a: {  	_ =	shalt  }
0x5b: {  	_ =	shalt  }
0x5c: {  	_ =	shalt  }
0x5d: {  	_ =	shalt  }
0x5e: {  	_ =	shalt  }
0x5f: {  	_ =	shalt  }
0x60: {  	_ =	shalt  }
0x61: {  	_ =	shalt  }
0x62: {  	_ =	shalt  }
0x63: {  	_ =	shalt  }
0x64: {  	_ =	shalt  }
0x65: {  	_ =	shalt  }
0x66: {  	_ =	shalt  }
0x67: {  	_ =	shalt  }
0x68: {  	_ =	shalt  }
0x69: {  	_ =	shalt  }
0x6a: {  	_ =	shalt  }
0x6b: {  	_ =	shalt  }
0x6c: {  	_ =	shalt  }
0x6d: {  	_ =	shalt  }
0x6e: {  	_ =	shalt  }
0x6f: {  	_ =	shalt  }
0x70: {  	_ =	shalt  }
0x71: {  	_ =	shalt  }
0x72: {  	_ =	shalt  }
0x73: {  	_ =	shalt  }
0x74: {  	_ =	shalt  }
0x75: {  	_ =	shalt  }
0x76: {  	_ =	shalt  }
0x77: {  	_ =	shalt  }
0x78: {  	_ =	shalt  }
0x79: {  	_ =	shalt  }
0x7a: {  	_ =	shalt  }
0x7b: {  	_ =	shalt  }
0x7c: {  	_ =	shalt  }
0x7d: {  	_ =	shalt  }
0x7e: {  	_ =	shalt  }
0x7f: {  	_ =	shalt  }
0x80: {  	_ =	shalt  }
0x81: {  	_ =	shalt  }
0x82: {  	_ =	shalt  }
0x83: {  	_ =	shalt  }
0x84: {  	_ =	shalt  }
0x85: {  	_ =	shalt  }
0x86: {  	_ =	shalt  }
0x87: {  	_ =	shalt  }
.Lfunc_end0:
.L_simem_size_0:
called_computation_lowered:
.L_overlay_start_0:
0x88: {  	s2 =	sld [smem:$0x3FD9]  }
0x89: {  	s3 =	sld [smem:$0x3FFE];
	_ =	sdelay $0x1  }
0x8a: {  	s1 =	srdreg.scid  }
0x8b: {  	s0 =	sand.u32 $0x1, s1  }
0x8c: {  	s17 =	sshll.u32 s0, $0xA;
	s2 =	sadd.s32 s3, s2  }
0x8d: {  	s2 =	sadd.s32 s2, s17  }
0x8e: {  	[smem:$0x3FC3] =	sst s2  }
0x8f: {  	_ = 	snop  }
0x90: {  	s2 =	sld [smem:$0x3FC9]  }
0x91: {  	s18 =	sld [smem:$0x3FD0];
	(tm) =	ssettm $0x1  }
0x92: {  	s4 =	sld [smem:$0x3FFB];
	_ =	sdelay $0x3  }
0x93: {  	_ =	strace s4  }
0x94: {  	s4 =	sld [smem:$0x3FFC];
	_ =	sdelay $0x3  }
0x95: {  	_ =	strace s4  }
0x96: {  	s4 =	sld [smem:$0x3FFD];
	_ =	sdelay $0x3  }
0x97: {  	_ =	strace s4  }
0x98: {  	_ =	strace $0x8FFFFFFF  }
0x99: {  	s19 =	sld [smem:$0x3FDB];
	_ =	sdelay $0x1  }
0x9a: {  	s5 =	simm.s32 $_scs_section_size  }
0x9b: {  	s6 =	simm.s32 $_size__tile_overlayer_lowered;
	s7 =	simm.s32 $_tile_overlayer_lowered  }
0x9c: {  	s22 =	simm.s32 $0x1BFF;
	s21 =	sshll.u32 s7, $0x1;
	s4 =	sadd.s32 s5, s19  }
0x9d: {  	s8 =	simm.s32 $0x0;
	s20 =	sshll.u32 s6, $0x1;
	s6 =	sadd.s32 s21, s4  }
0x9e: {  	[timem:s8], [sflag:s22] =	dma.local [hbm:s6], s20  }
0x9f: {  	_ =	swait.ge [sflag:s22], s20  }
0xa0: {  	s5 =	ssub.s32 $0x0, s20;
	[sflag:s22] =	ssyncset.done $0x0  }
0xa1: {  	[sflag:s22] =	ssyncadd.s32 s5;
	_ =	sdelay $0x1  }
0xa2: {  	s23 =	simm.s32 $0x1B8B  }
0xa3: {  	_ =	swait.ge [sflag:s23], $0x1  }
0xa4: {  	[sflag:s23] =	ssyncset.done $0x0  }
0xa5: {  	s25 =	simm.s32 $0x1B8E;
	s24 =	sld [smem:$0x3FFE];
	[sflag:s23] =	ssyncadd.s32 $0xFFFFFFFF  }
0xa6: {  	s26 =	simm.s32 $execute0_lowered;
	[smem:$0x3FD2] =	sst s25  }
0xa7: {  	s6 =	sshll.u32 s26, $0x1;
	_ =	strace $0x80000046;
	[dreg:$0x1] =	wrdreg $0xFFFFFFFF  }
0xa8: {  	s28 =	simm.s32 $_size_execute0_lowered;
	s4 =	sadd.s32 s4, s6;
	[dreg:$0x0] =	wrdreg $0x0  }
0xa9: {  	s6 =	sshll.u32 s28, $0x1;
	[dreg:$0x2] =	wrdreg s4  }
0xaa: {  	[dreg:$0x3] =	wrdreg s6  }
0xab: {  	[dreg:$0x4] =	wrdreg $0xC0  }
0xac: {  	_ =	task [dreg:s8], $0x5FFFF  }
0xad: {  	[dreg:$0x1] =	wrdreg $0xFFFFFFFF  }
0xae: {  	[dreg:$0x0] =	wrdreg $0x60  }
0xaf: {  	[dreg:$0x2] =	wrdreg s2  }
0xb0: {  	[dreg:$0x3] =	wrdreg s24  }
0xb1: {  	[dreg:$0x4] =	wrdreg s18  }
0xb2: {  	[dreg:$0x5] =	wrdreg $0x98000  }
0xb3: {  	[dreg:$0x6] =	wrdreg $0x9  }
0xb4: {  	_ =	task.clear_ibuf [dreg:s8], $0x7FFFF;
	_ =	strace $0x90000046  }
0xb5: {  	s29 =	simm.s32 $0x9;
	_ =	strace $0x80000048  }
0xb6: {  	_ =	swait.ge [sflag:s29], $0x1  }
0xb7: {  	[sflag:s29] =	ssyncadd.s32 $0xFFFFFFFF  }
0xb8: {  	_ =	strace $0x90000048  }
0xb9: {  	_ =	sfence  }
0xba: {  	s30 =	sld [smem:$0x0];
	_ =	sdelay $0x2  }
0xbb: {  	s31 =	sshll.u32 s1, $0xD;
	s1 =	sshrl.u32 s1, $0x2  }
0xbc: {  	s3 =	sand.u32 $0x4000, s31;
	s1 =	sadd.s32 s1, s30  }
0xbd: {  	s0 =	sor.u32 s3, s0;
	s1 =	sshll.u32 s1, $0x11  }
0xbe: {  	s0 =	sor.u32 s1, s0  }
0xbf: {  	s0 =	sadd.s32 $0x8F2B, s0  }
0xc0: {  	[sflag:s0] =	ssyncadd.remote.s32 $0x1  }
0xc1: {  	_ =	sfence.sel $0xFFFF  }
0xc2: {  	[dreg:$0x0] =	wrdreg $0xFFFFFFFF;
	(pc) =	sbr.abs _section_cstart, $3  }
0xc3: {  	[dreg:$0x1] =	wrdreg $0xFFFFFFFF  }
0xc4: {  	_ =	task.clear_ibuf [dreg:s8], $0x2FFFF;
	_ =	strace $0x9FFFFFFF  }
0xc5: {  	(tm) =	ssettm $0x7FFFFFFF  }
tec
execute0_lowered:
.L_overlay_start_1:
0x0: {  	(tag) =	ssettag $0x1  }
0x1: {  	s12 =	rddreg [dreg:$0x0]  }
0x2: {  	s0 =	srdreg.scid;
	s4 =	rddreg [dreg:$0x1]  }
0x3: {  	s10 =	rddreg [dreg:$0x2];
	s9 =	sand.u32 $0x1, s0;
	s0 =	stileid.u32  }
0x4: {  	s2 =	rddreg [dreg:$0x3];
	s6 =	smul.u32 $0x50000, s0  }
0x5: {  	s3 =	simm.s32 $0x0;
	s16 =	simm.s32 $0x3200;
	s13 =	smul.u32 $0x140000, s9  }
0x6: {  	s19 =	simm.s32 $0x0;
	[smem:$0x7FF] =	sst s3;
	s15 =	smul.u32 $0x14000, s0  }
0x7: {  	s1 =	sshll.u32 s9, $0x4;
	s26 =	ssub.s32 $0x2, s9;
	s29 =	smul.u32 $0x271000, s9  }
0x8: {  	s31 =	smul.u32 $0x27100, s0;
	s17 =	sshll.u32 s0, $0x6;
	s5 =	sor.u32 s0, s1  }
0x9: {  	s1 =	rddreg [dreg:$0x4];
	_ =	strace $0x80000047;
	s28 =	sshrl.u32 s26, $0x1  }
0xa: {  	s17 =	sor.u32 $0x1C01, s17;
	s5 =	smul.u32 $0x680, s5;
	s6 =	sshrl.u32 s6, $0x2  }
0xb: {  	s14 =	ssub.s32 s26, s28;
	s13 =	sadd.s32 s15, s13;
	s12 =	sadd.s32 s29, s12  }
0xc: {  	s15 =	simm.s32 $0x64;
	s30 =	sshrl.u32 s13, $0x3;
	s12 =	sadd.s32 s31, s12  }
0xd: {  	s13 =	simm.s32 $0x1;
	s11 =	sadd.s32 s5, s4;
	s4 =	sadd.s32 s6, s2  }
0xe: {  	s10 =	sadd.s32 s10, s30;
	s5 =	sadd.s32 $0x4000, s4;
	s6 =	sadd.s32 $0x8000, s4  }
0xf: {  	s7 =	sadd.s32 $0xC000, s4;
	s8 =	sadd.s32 $0x10000, s4;
	s9 =	sadd.s32 $0x1200, s11  }
0x10: {  	v0 =	vimm.f32 $0.0e+00;
	s11 =	smax.u32 s14, $0x1;
	s14 =	simm.s32 $0x6400;
	s18 =	sshrl.u32 s4, $0x3  }
.LBB2_1:
0x11: {  	s20 =	sand.u32 $0xFE00, s3  }
0x12: {  	s21 =	sand.u32 $0x70, s3;
	s22 =	sshrl.u32 s20, $0x2  }
0x13: {  	s20 =	simm.s32 $0x40;
	s22 =	sor.u32 s21, s22;
	s21 =	simm.s32 $0x0  }
.LBB2_2:
0x14: {  	p0 =	sne.s32 s20, $0xFFC0  }
0x15: {  	[tilespmem:s22+$0x0] =	vst v0;
	s21 =	sadd.s32 $0x10, s21;
	s22 =	smov.u32 s20;
	s20 =	sadd.s32 $0x40, s20  }
.Ltmp0:
0x16: {  	(pc) =	sbr.rel @p0 .LBB2_2-.Ltmp0, $4  }
0x17: {  	_ = 	snop  }
0x18: {  	s22 =	sand.u32 $0xFE00, s22  }
0x19: {  	s23 =	sand.u32 $0x70, s21;
	s22 =	sshrl.u32 s22, $0x2  }
0x1a: {  	s22 =	sor.u32 s23, s22  }
0x1b: {  	[tilespmem:s22+$0x0] =	vst v0;
	s20 =	simm.s32 $0x0  }
0x1c: {  	[spmem:s4] =	stream.linear.scatter [tilespmem:s20], [sflag:$0x1], $0x4000, $0x38;
	[tilespmem:$0x1D800] =	vst v63  }
0x1d: {  	_ =	swait.ge [sflag:s13], $0x4000  }
0x1e: {  	[sflag:s13] =	ssyncset.done $0x0  }
0x1f: {  	[sflag:s13] =	ssyncadd.s32 $0xFFFFC000  }
0x20: {  	[spmem:s5] =	stream.linear.scatter [tilespmem:s20], [sflag:$0x1], $0x4000, $0x38;
	[tilespmem:$0x1D800] =	vst v63  }
0x21: {  	_ =	swait.ge [sflag:s13], $0x4000  }
0x22: {  	[sflag:s13] =	ssyncset.done $0x0  }
0x23: {  	[sflag:s13] =	ssyncadd.s32 $0xFFFFC000  }
0x24: {  	[spmem:s6] =	stream.linear.scatter [tilespmem:s20], [sflag:$0x1], $0x4000, $0x38;
	[tilespmem:$0x1D800] =	vst v63  }
0x25: {  	_ =	swait.ge [sflag:s13], $0x4000  }
0x26: {  	[sflag:s13] =	ssyncset.done $0x0  }
0x27: {  	[sflag:s13] =	ssyncadd.s32 $0xFFFFC000  }
0x28: {  	[spmem:s7] =	stream.linear.scatter [tilespmem:s20], [sflag:$0x1], $0x4000, $0x38;
	[tilespmem:$0x1D800] =	vst v63  }
0x29: {  	_ =	swait.ge [sflag:s13], $0x4000  }
0x2a: {  	[sflag:s13] =	ssyncset.done $0x0  }
0x2b: {  	[sflag:s13] =	ssyncadd.s32 $0xFFFFC000  }
0x2c: {  	[spmem:s8] =	stream.linear.scatter [tilespmem:s20], [sflag:$0x1], $0x4000, $0x38;
	[tilespmem:$0x1D800] =	vst v63  }
0x2d: {  	_ =	swait.ge [sflag:s13], $0x4000  }
0x2e: {  	[sflag:s13] =	ssyncset.done $0x0  }
0x2f: {  	[sflag:s13] =	ssyncadd.s32 $0xFFFFC000  }
0x30: {  	[tilespmem:s14], [sflag:$0x1] =	stream.linear.gather [hbm4b:s9+s20], $0x3200, $0x38;
	[tilespmem:$0x1D800] =	vst v63  }
0x31: {  	_ =	swait.ge [sflag:s13], $0x3200  }
0x32: {  	[sflag:s13] =	ssyncset.done $0x0  }
0x33: {  	[sflag:s13] =	ssyncadd.s32 $0xFFFFCE00  }
0x34: {  	s29 =	sadd.s32 $0x0, s12;
	[bflag:$0x0] =	sbarrier.arrive $0xFFFF  }
0x35: {  	[tilespmem:s3], [sflag:$0x1] =	stream.linear.gather [hbm4b:s29+s3], $0x6400, $0x38;
	[tilespmem:$0x1D800] =	vst v63  }
0x36: {  	_ =	swait.ge [sflag:s13], $0x6400  }
0x37: {  	[sflag:s13] =	ssyncset.done $0x0  }
0x38: {  	s30 =	simm.s32 $0x6400;
	[sflag:s13] =	ssyncadd.s32 $0xFFFF9C00  }
0x39: {  	[spmem:s2] =	stream.indirect.scatter.add.f32 [tilespmem:s3], [sflag:$0x1], $0x80, s30, s15, $0xb8;
	[tilespmem:$0x1D800] =	vst v63  }
0x3a: {  	_ =	swait.ge [sflag:s13], $0x3200  }
0x3b: {  	[sflag:s13] =	ssyncset.done $0x0  }
0x3c: {  	s31 =	simm.s32 $0x6480;
	[sflag:s13] =	ssyncadd.s32 $0xFFFFCE00  }
0x3d: {  	[spmem:s2] =	stream.indirect.scatter.add.f32 [tilespmem:s16], [sflag:$0x1], $0x80, s31, s15, $0xb8;
	[tilespmem:$0x1D800] =	vst v63  }
0x3e: {  	s21 =	simm.s32 $0xC80;
	_ =	swait.ge [sflag:s13], $0x3200  }
0x3f: {  	s22 =	simm.s32 $0x1900;
	s20 =	simm.s32 $0x6580;
	[sflag:s13] =	ssyncset.done $0x0  }
.LBB2_4:
0x40: {  	s23 =	sadd.s32 s21, s12  }
0x41: {  	[sflag:s13] =	ssyncadd.s32 $0xFFFFCE00;
	s21 =	smov.u32 s22;
	s24 =	sadd.s32 $0xC80, s22  }
0x42: {  	[tilespmem:s3], [sflag:$0x1] =	stream.linear.gather [hbm4b:s23+s3], $0x6400, $0x38;
	[tilespmem:$0x1D800] =	vst v63  }
0x43: {  	p0 =	sne.s32 s22, $0x26480;
	_ =	swait.ge [sflag:s13], $0x6400  }
0x44: {  	[sflag:s13] =	ssyncset.done $0x0  }
0x45: {  	s22 =	sadd.s32 $0xFFFFFF80, s20;
	[sflag:s13] =	ssyncadd.s32 $0xFFFF9C00  }
0x46: {  	[spmem:s2] =	stream.indirect.scatter.add.f32 [tilespmem:s3], [sflag:$0x1], $0x80, s22, s15, $0xb8;
	[tilespmem:$0x1D800] =	vst v63  }
0x47: {  	_ =	swait.ge [sflag:s13], $0x3200  }
.Ltmp1:
0x48: {  	[sflag:s13] =	ssyncset.done $0x0;
	(pc) =	sbr.rel @p0 .LBB2_4-.Ltmp1, $4  }
0x49: {  	[sflag:s13] =	ssyncadd.s32 $0xFFFFCE00  }
0x4a: {  	[spmem:s2] =	stream.indirect.scatter.add.f32 [tilespmem:s16], [sflag:$0x1], $0x80, s20, s15, $0xb8;
	[tilespmem:$0x1D800] =	vst v63  }
0x4b: {  	_ =	swait.ge [sflag:s13], $0x3200  }
0x4c: {  	s22 =	smov.u32 s24;
	s20 =	sadd.s32 $0x100, s20;
	[sflag:s13] =	ssyncset.done $0x0  }
0x4d: {  	s21 =	sadd.s32 s21, s12;
	[sflag:s13] =	ssyncadd.s32 $0xFFFFCE00  }
0x4e: {  	[tilespmem:s3], [sflag:$0x1] =	stream.linear.gather [hbm4b:s21+s3], $0x6400, $0x38;
	[tilespmem:$0x1D800] =	vst v63  }
0x4f: {  	_ =	swait.ge [sflag:s13], $0x6400  }
0x50: {  	[sflag:s13] =	ssyncset.done $0x0  }
0x51: {  	s31 =	sadd.s32 $0xFFFFFF80, s20;
	[sflag:s13] =	ssyncadd.s32 $0xFFFF9C00  }
0x52: {  	[spmem:s2] =	stream.indirect.scatter.add.f32 [tilespmem:s3], [sflag:$0x1], $0x80, s31, s15, $0xb8;
	[tilespmem:$0x1D800] =	vst v63  }
0x53: {  	_ =	swait.ge [sflag:s13], $0x3200  }
0x54: {  	[sflag:s13] =	ssyncset.done $0x0  }
0x55: {  	[sflag:s13] =	ssyncadd.s32 $0xFFFFCE00  }
0x56: {  	[spmem:s2] =	stream.indirect.scatter.add.f32 [tilespmem:s16], [sflag:$0x1], $0x80, s20, s15, $0xb8;
	[tilespmem:$0x1D800] =	vst v63  }
0x57: {  	_ =	swait.ge [sflag:s13], $0x3200  }
0x58: {  	s19 =	sadd.s32 $0x1, s19;
	[sflag:s13] =	ssyncset.done $0x0  }
0x59: {  	p0 =	sne.s32 s19, s11;
	[sflag:s13] =	ssyncadd.s32 $0xFFFFCE00  }
.Ltmp2:
0x5a: {  	[bflag:$0x0] =	sbarrier.arrive $0xFFFF;
	(pc) =	sbr.rel @p0 .LBB2_1-.Ltmp2, $4  }
0x5b: {  	[hbm:s10], [sflag:s17] =	dma.local [spmem:s18], $0x2800  }
0x5c: {  	_ =	swait.ge [sflag:s13], $0x2800  }
0x5d: {  	[sflag:s13] =	ssyncset.done $0x0  }
0x5e: {  	[sflag:s13] =	ssyncadd.s32 $0xFFFFD800  }
0x5f: {  	_ =	sfence.sel $0x180000  }
0x60: {  	[bflag:$0x0] =	sbarrier.arrive $0xFFFF  }
0x61: {  	p0 =	sne.s32 s0, $0x0;
	_ =	strace $0x90000047  }
0x62: {  	s0 =	sadd.s32 @!p0 $0x100000, s1;
	[bflag:$0x2] =	sbarrier.arrive $0xFFFF  }
0x63: {  	[sflag:s0] =	ssyncadd.tile.s32 @!p0 $0x1;
	_ =	shalt  }
.Lfunc_end2:
_tile_overlayer_lowered:
.L_overlay_start_2:
0x64: {  	(tag) =	ssettag $0x2  }
0x65: {  	s0 =	rddreg [dreg:$0x0];
	s2 =	stileid.u32  }
0x66: {  	s1 =	rddreg [dreg:$0x1];
	p0 =	sne.s32 s2, $0x0  }
0x67: {  	s3 =	rddreg [dreg:$0x2];
	[bflag:$0x3] =	sbarrier.arrive $0xFFFF;
	s2 =	simm.s32 @!p0 $0x1C01  }
0x68: {  	[timem:s3], [sflag:s2] =	dma.local @!p0 [hbm:s0], s1  }
0x69: {  	s0 =	simm.s32 @!p0 $0x1  }
0x6a: {  	_ =	swait.ge @!p0 [sflag:s0], s1  }
0x6b: {  	s1 =	ssub.s32 @!p0 $0x0, s1;
	[sflag:s0] =	ssyncset.done @!p0 $0x0  }
0x6c: {  	[sflag:s0] =	ssyncadd.s32 @!p0 s1  }
0x6d: {  	[bflag:$0x3] =	sbarrier.arrive $0xFFFF  }
0x6e: {  	_ =	shalt  }

// kernel: kernel.9.cloned.1.call-start
scs
__scs_entry_jumppad:
0x0: {  	(pc) =	sbr.rel $0x88, $3  }
0x1: {  	(tag) =	ssettag $0x0;
	lr =	simm.s32 $0x1  }
0x2: {  	[smem:$0x3F9C] =	sst lr;
	_ =	strace $0xD0000000  }
0x3: {  	_ = 	snop  }
0x4: {  	_ = 	snop  }
0x5: {  	_ = 	snop  }
0x6: {  	_ = 	snop  }
0x7: {  	_ = 	snop  }
__scs_overlays_trampoline_lowered:
0x8: {  	[smem:$0x3FAB] =	sst s0  }
0x9: {  	[smem:$0x3FAC] =	sst s1  }
0xa: {  	[smem:$0x3FAD] =	sst s2  }
0xb: {  	[smem:$0x3FAE] =	sst s3  }
0xc: {  	[smem:$0x3FAF] =	sst s4  }
0xd: {  	[smem:$0x3FB0] =	sst s5  }
0xe: {  	[smem:$0x3FB1] =	sst s6  }
0xf: {  	[smem:$0x3FB2] =	sst s7  }
0x10: {  	[smem:$0x3FB3] =	sst s8  }
0x11: {  	[smem:$0x3FB4] =	sst s9;
	s0 =	simm.s32 @!p0 $0x0  }
0x12: {  	s1 =	sld [smem:$0x3F9A];
	s0 =	simm.s32 @p0 $0x1  }
0x13: {  	[smem:$0x3FB5] =	sst s0;
	s0 =	simm.s32 @!p1 $0x0  }
0x14: {  	s2 =	sld [smem:$0x3F99];
	s0 =	simm.s32 @p1 $0x1  }
0x15: {  	[smem:$0x3FB6] =	sst s0;
	s0 =	simm.s32 @!p2 $0x0  }
0x16: {  	s3 =	sld [smem:$0x3FDB];
	s0 =	simm.s32 @p2 $0x1  }
0x17: {  	s4 =	simm.s32 $0x1BF5;
	[smem:$0x3FB8] =	sst s0  }
0x18: {  	s0 =	sld [smem:$0x3F9B];
	_ =	swait.ge [sflag:s4], $0x0  }
0x19: {  	s7 =	sld [smem:$0x3F9C]  }
0x1a: {  	s8 =	sadd.s32 $0xFFFFE003, lr  }
0x1b: {  	s9 =	sadd.s32 $0xFFFFFEF7, lr;
	s5 =	simm.s32 $0xFFFFFFFF;
	p2 =	slt.u32 s8, $0xFFFFF086  }
0x1c: {  	p1 =	slt.u32 s9, $0xF7A;
	s5 =	simm.s32 @!p2 $0x0  }
0x1d: {  	s5 =	simm.s32 @p1 $0x1;
	p0 =	seq.s32 s7, s2  }
0x1e: {  	s7 =	smul.u32 @!p0 $0xF7A, s2;
	p2 =	seq.s32 @!p0 s5, $0x0  }
0x1f: {  	s9 =	smul.u32 $0xF7A, s1;
	s8 =	simm.s32 @!p0 $0x1BF5;
	p2 =	por !p2, p0  }
0x20: {  	[sflag:s8] =	ssyncset.s32 @!p0 $0xFFFFF086;
	s6 =	sadd.s32 @!p0 s3, s7;
	s7 =	simm.s32 @!p0 $0x108  }
0x21: {  	s3 =	sadd.s32 s3, s9;
	s6 =	sadd.s32 @!p0 $0x88, s6;
	s7 =	simm.s32 @p2 $0x1082  }
0x22: {  	[simem:s7], [sflag:s8] =	dma.local @!p0 [hbm:s6], $0xF7A  }
0x23: {  	s9 =	sor.u32 $0xD0000000, s2;
	s6 =	simm.s32 $0x108;
	_ =	swait.ge @!p0 [sflag:s8], $0x0  }
0x24: {  	s3 =	sadd.s32 $0x88, s3;
	s6 =	simm.s32 @!p1 $0x1082;
	[sflag:s4] =	ssyncset.s32 $0xFFFFF086  }
0x25: {  	[simem:s6], [sflag:s4] =	dma.local [hbm:s3], $0xF7A  }
0x26: {  	[smem:$0x3F9C] =	sst s1;
	(tag) =	ssettag s2;
	_ =	strace s9  }
0x27: {  	s1 =	sld [smem:$0x3FAC]  }
0x28: {  	s2 =	sld [smem:$0x3FAD]  }
0x29: {  	s4 =	sld [smem:$0x3FAF]  }
0x2a: {  	p0 =	seq.s32 s5, $0x0;
	s5 =	sld [smem:$0x3FB0]  }
0x2b: {  	s6 =	sld [smem:$0x3FB1]  }
0x2c: {  	s7 =	sld [smem:$0x3FB2]  }
0x2d: {  	s3 =	simm.s32 $0x108;
	s8 =	sld [smem:$0x3FB3]  }
0x2e: {  	s3 =	simm.s32 @!p0 $0x1082;
	s9 =	sld [smem:$0x3FB4]  }
0x2f: {  	lr =	sadd.s32 s0, s3;
	s0 =	sld [smem:$0x3FAB]  }
0x30: {  	s3 =	sld [smem:$0x3FAE]  }
0x31: {  	[smem:$0x3FB7] =	sst s10  }
0x32: {  	s10 =	sld [smem:$0x3FB5];
	_ =	sdelay $0x3  }
0x33: {  	p0 =	seq.s32 s10, $0x1;
	s10 =	sld [smem:$0x3FB7];
	_ =	sdelay $0x3  }
0x34: {  	[smem:$0x3FB7] =	sst s10  }
0x35: {  	s10 =	sld [smem:$0x3FB6];
	_ =	sdelay $0x3  }
0x36: {  	p1 =	seq.s32 s10, $0x1;
	s10 =	sld [smem:$0x3FB7];
	_ =	sdelay $0x3  }
0x37: {  	[smem:$0x3FB7] =	sst s10  }
0x38: {  	s10 =	sld [smem:$0x3FB8]  }
0x39: {  	_ = 	snop;
	(pc) =	sbr.ind lr, $3  }
0x3a: {  	_ = 	snop  }
0x3b: {  	_ = 	snop  }
0x3c: {  	p2 =	seq.s32 s10, $0x1;
	s10 =	sld [smem:$0x3FB7]  }
0x3d: {  	_ =	shalt  }
0x3e: {  	_ =	shalt  }
0x3f: {  	_ =	shalt  }
0x40: {  	_ =	shalt  }
0x41: {  	_ =	shalt  }
0x42: {  	_ =	shalt  }
0x43: {  	_ =	shalt  }
0x44: {  	_ =	shalt  }
0x45: {  	_ =	shalt  }
0x46: {  	_ =	shalt  }
0x47: {  	_ =	shalt  }
0x48: {  	_ =	shalt  }
0x49: {  	_ =	shalt  }
0x4a: {  	_ =	shalt  }
0x4b: {  	_ =	shalt  }
0x4c: {  	_ =	shalt  }
0x4d: {  	_ =	shalt  }
0x4e: {  	_ =	shalt  }
0x4f: {  	_ =	shalt  }
0x50: {  	_ =	shalt  }
0x51: {  	_ =	shalt  }
0x52: {  	_ =	shalt  }
0x53: {  	_ =	shalt  }
0x54: {  	_ =	shalt  }
0x55: {  	_ =	shalt  }
0x56: {  	_ =	shalt  }
0x57: {  	_ =	shalt  }
0x58: {  	_ =	shalt  }
0x59: {  	_ =	shalt  }
0x5a: {  	_ =	shalt  }
0x5b: {  	_ =	shalt  }
0x5c: {  	_ =	shalt  }
0x5d: {  	_ =	shalt  }
0x5e: {  	_ =	shalt  }
0x5f: {  	_ =	shalt  }
0x60: {  	_ =	shalt  }
0x61: {  	_ =	shalt  }
0x62: {  	_ =	shalt  }
0x63: {  	_ =	shalt  }
0x64: {  	_ =	shalt  }
0x65: {  	_ =	shalt  }
0x66: {  	_ =	shalt  }
0x67: {  	_ =	shalt  }
0x68: {  	_ =	shalt  }
0x69: {  	_ =	shalt  }
0x6a: {  	_ =	shalt  }
0x6b: {  	_ =	shalt  }
0x6c: {  	_ =	shalt  }
0x6d: {  	_ =	shalt  }
0x6e: {  	_ =	shalt  }
0x6f: {  	_ =	shalt  }
0x70: {  	_ =	shalt  }
0x71: {  	_ =	shalt  }
0x72: {  	_ =	shalt  }
0x73: {  	_ =	shalt  }
0x74: {  	_ =	shalt  }
0x75: {  	_ =	shalt  }
0x76: {  	_ =	shalt  }
0x77: {  	_ =	shalt  }
0x78: {  	_ =	shalt  }
0x79: {  	_ =	shalt  }
0x7a: {  	_ =	shalt  }
0x7b: {  	_ =	shalt  }
0x7c: {  	_ =	shalt  }
0x7d: {  	_ =	shalt  }
0x7e: {  	_ =	shalt  }
0x7f: {  	_ =	shalt  }
0x80: {  	_ =	shalt  }
0x81: {  	_ =	shalt  }
0x82: {  	_ =	shalt  }
0x83: {  	_ =	shalt  }
0x84: {  	_ =	shalt  }
0x85: {  	_ =	shalt  }
0x86: {  	_ =	shalt  }
0x87: {  	_ =	shalt  }
.Lfunc_end0:
.L_simem_size_0:
called_computation.1_lowered:
.L_overlay_start_0:
0x88: {  	s2 =	sld [smem:$0x3FD9]  }
0x89: {  	s3 =	sld [smem:$0x3FFE];
	_ =	sdelay $0x1  }
0x8a: {  	s1 =	srdreg.scid  }
0x8b: {  	s0 =	sand.u32 $0x1, s1  }
0x8c: {  	s17 =	sshll.u32 s0, $0xA;
	s2 =	sadd.s32 s3, s2  }
0x8d: {  	s2 =	sadd.s32 s2, s17  }
0x8e: {  	[smem:$0x3FC3] =	sst s2  }
0x8f: {  	_ = 	snop  }
0x90: {  	s2 =	sld [smem:$0x3FD0];
	(tm) =	ssettm $0x1  }
0x91: {  	s18 =	sld [smem:$0x3FFB];
	_ =	sdelay $0x3  }
0x92: {  	_ =	strace s18  }
0x93: {  	s3 =	sld [smem:$0x3FFC];
	_ =	sdelay $0x3  }
0x94: {  	_ =	strace s3  }
0x95: {  	s3 =	sld [smem:$0x3FFD];
	_ =	sdelay $0x3  }
0x96: {  	_ =	strace s3  }
0x97: {  	_ =	strace $0x8FFFFFFF  }
0x98: {  	s19 =	sld [smem:$0x3FDB];
	_ =	sdelay $0x1  }
0x99: {  	s4 =	simm.s32 $_scs_section_size  }
0x9a: {  	s5 =	simm.s32 $_size__tile_overlayer_lowered;
	s6 =	simm.s32 $_tile_overlayer_lowered  }
0x9b: {  	s22 =	simm.s32 $0x1BFF;
	s21 =	sshll.u32 s6, $0x1;
	s3 =	sadd.s32 s4, s19  }
0x9c: {  	s7 =	simm.s32 $0x0;
	s20 =	sshll.u32 s5, $0x1;
	s5 =	sadd.s32 s21, s3  }
0x9d: {  	[timem:s7], [sflag:s22] =	dma.local [hbm:s5], s20  }
0x9e: {  	_ =	swait.ge [sflag:s22], s20  }
0x9f: {  	s4 =	ssub.s32 $0x0, s20;
	[sflag:s22] =	ssyncset.done $0x0  }
0xa0: {  	[sflag:s22] =	ssyncadd.s32 s4;
	_ =	sdelay $0x1  }
0xa1: {  	s23 =	simm.s32 $0x1B8B  }
0xa2: {  	_ =	swait.ge [sflag:s23], $0x1  }
0xa3: {  	[sflag:s23] =	ssyncset.done $0x0  }
0xa4: {  	s25 =	simm.s32 $0x1B8E;
	s24 =	sld [smem:$0x3FFE];
	[sflag:s23] =	ssyncadd.s32 $0xFFFFFFFF  }
0xa5: {  	s26 =	simm.s32 $execute0_lowered;
	[smem:$0x3FD2] =	sst s25  }
0xa6: {  	s5 =	sshll.u32 s26, $0x1;
	_ =	strace $0x80000049;
	[dreg:$0x1] =	wrdreg $0xFFFFFFFF  }
0xa7: {  	s28 =	simm.s32 $_size_execute0_lowered;
	s3 =	sadd.s32 s3, s5;
	[dreg:$0x0] =	wrdreg $0x0  }
0xa8: {  	s5 =	sshll.u32 s28, $0x1;
	[dreg:$0x2] =	wrdreg s3  }
0xa9: {  	[dreg:$0x3] =	wrdreg s5  }
0xaa: {  	[dreg:$0x4] =	wrdreg $0xC0  }
0xab: {  	_ =	task [dreg:s7], $0x5FFFF  }
0xac: {  	[dreg:$0x1] =	wrdreg $0xFFFFFFFF  }
0xad: {  	[dreg:$0x0] =	wrdreg $0x60  }
0xae: {  	[dreg:$0x2] =	wrdreg s2  }
0xaf: {  	[dreg:$0x3] =	wrdreg s24  }
0xb0: {  	[dreg:$0x4] =	wrdreg $0x98000  }
0xb1: {  	[dreg:$0x5] =	wrdreg $0x9  }
0xb2: {  	_ =	task.clear_ibuf [dreg:s7], $0x6FFFF;
	_ =	strace $0x90000049  }
0xb3: {  	s29 =	simm.s32 $0x9;
	_ =	strace $0x8000004B  }
0xb4: {  	_ =	swait.ge [sflag:s29], $0x1  }
0xb5: {  	[sflag:s29] =	ssyncadd.s32 $0xFFFFFFFF  }
0xb6: {  	_ =	strace $0x9000004B  }
0xb7: {  	_ =	sfence  }
0xb8: {  	s30 =	sld [smem:$0x0];
	_ =	sdelay $0x2  }
0xb9: {  	s31 =	sshll.u32 s1, $0xD;
	s1 =	sshrl.u32 s1, $0x2  }
0xba: {  	s3 =	sand.u32 $0x4000, s31;
	s1 =	sadd.s32 s1, s30  }
0xbb: {  	s0 =	sor.u32 s3, s0;
	s1 =	sshll.u32 s1, $0x11  }
0xbc: {  	s0 =	sor.u32 s1, s0  }
0xbd: {  	s0 =	sadd.s32 $0x8F2B, s0  }
0xbe: {  	[sflag:s0] =	ssyncadd.remote.s32 $0x1  }
0xbf: {  	_ =	sfence.sel $0xFFFF  }
0xc0: {  	[dreg:$0x0] =	wrdreg $0xFFFFFFFF;
	(pc) =	sbr.abs _section_cstart, $3  }
0xc1: {  	[dreg:$0x1] =	wrdreg $0xFFFFFFFF  }
0xc2: {  	_ =	task.clear_ibuf [dreg:s7], $0x2FFFF;
	_ =	strace $0x9FFFFFFF  }
0xc3: {  	(tm) =	ssettm $0x7FFFFFFF  }
tec
execute0_lowered:
.L_overlay_start_1:
0x0: {  	(tag) =	ssettag $0x1  }
0x1: {  	s4 =	rddreg [dreg:$0x0]  }
0x2: {  	s6 =	rddreg [dreg:$0x1]  }
0x3: {  	s0 =	srdreg.scid;
	s2 =	rddreg [dreg:$0x2]  }
0x4: {  	s3 =	simm.s32 $0x0;
	s12 =	simm.s32 $0x64;
	s5 =	sand.u32 $0x1, s0  }
0x5: {  	s13 =	simm.s32 $0x3200;
	s0 =	stileid.u32;
	s8 =	smul.u32 $0x271000, s5  }
0x6: {  	s14 =	simm.s32 $0x0;
	[smem:$0x7FF] =	sst s3;
	s9 =	smul.u32 $0x50000, s0  }
0x7: {  	s1 =	sshll.u32 s5, $0x4;
	s5 =	ssub.s32 $0x2, s5;
	s29 =	smul.u32 $0x2800, s0  }
0x8: {  	s11 =	smul.u32 $0x27100, s0;
	s30 =	sshll.u32 s0, $0x6;
	s7 =	sor.u32 s0, s1  }
0x9: {  	s1 =	rddreg [dreg:$0x3];
	_ =	strace $0x8000004A;
	s10 =	sshrl.u32 s5, $0x1  }
0xa: {  	s7 =	smul.u32 $0x680, s7;
	s9 =	sshrl.u32 s9, $0x2;
	s10 =	ssub.s32 s5, s10  }
0xb: {  	s4 =	sadd.s32 s4, s29;
	s5 =	sor.u32 $0x1C01, s30;
	s9 =	sadd.s32 s9, s2  }
0xc: {  	s7 =	sadd.s32 s7, s6;
	s6 =	sadd.s32 s8, s6;
	s9 =	sshrl.u32 s9, $0x3  }
0xd: {  	s31 =	sadd.s32 s11, s6;
	s6 =	sadd.s32 $0x1200, s7;
	s7 =	smax.u32 s10, $0x1  }
0xe: {  	s10 =	simm.s32 $0x1;
	s11 =	simm.s32 $0x6400;
	s8 =	sadd.s32 $0xE200, s31  }
.LBB2_1:
0xf: {  	[spmem:s9], [sflag:s5] =	dma.local [hbm:s4], $0x2800  }
0x10: {  	_ =	swait.ge [sflag:s10], $0x2800  }
0x11: {  	[sflag:s10] =	ssyncset.done $0x0  }
0x12: {  	[sflag:s10] =	ssyncadd.s32 $0xFFFFD800  }
0x13: {  	[tilespmem:s11], [sflag:$0x1] =	stream.linear.gather [hbm4b:s6+s3], $0x3200, $0x38;
	[tilespmem:$0x1D800] =	vst v63  }
0x14: {  	_ =	swait.ge [sflag:s10], $0x3200  }
0x15: {  	[sflag:s10] =	ssyncset.done $0x0  }
0x16: {  	[sflag:s10] =	ssyncadd.s32 $0xFFFFCE00  }
0x17: {  	s15 =	simm.s32 $0x6400;
	[bflag:$0x0] =	sbarrier.arrive $0xFFFF  }
0x18: {  	[tilespmem:s3], [sflag:$0x1] =	stream.indirect.gather [spmem:s2], $0x80, s15, s12, $0xb8;
	[tilespmem:$0x1D800] =	vst v63  }
0x19: {  	_ =	swait.ge [sflag:s10], $0x3200  }
0x1a: {  	[sflag:s10] =	ssyncset.done $0x0  }
0x1b: {  	s30 =	simm.s32 $0x6480;
	[sflag:s10] =	ssyncadd.s32 $0xFFFFCE00  }
0x1c: {  	[tilespmem:s13], [sflag:$0x1] =	stream.indirect.gather [spmem:s2], $0x80, s30, s12, $0xb8;
	[tilespmem:$0x1D800] =	vst v63  }
0x1d: {  	_ =	swait.ge [sflag:s10], $0x3200  }
0x1e: {  	[sflag:s10] =	ssyncset.done $0x0  }
0x1f: {  	s31 =	sadd.s32 $0x0, s8;
	[sflag:s10] =	ssyncadd.s32 $0xFFFFCE00  }
0x20: {  	[hbm4b:s31+s3] =	stream.linear.scatter [tilespmem:s3], [sflag:$0x1], $0x6400, $0x38;
	[tilespmem:$0x1D800] =	vst v63  }
0x21: {  	s17 =	simm.s32 $0x1900;
	_ =	swait.ge [sflag:s10], $0x6400  }
0x22: {  	s16 =	simm.s32 $0x6580;
	s15 =	simm.s32 $0xC80;
	[sflag:s10] =	ssyncset.done $0x0  }
.LBB2_2:
0x23: {  	p0 =	sne.s32 s17, $0x26480;
	s18 =	sadd.s32 $0xFFFFFF80, s16;
	[sflag:s10] =	ssyncadd.s32 $0xFFFF9C00  }
0x24: {  	[tilespmem:s3], [sflag:$0x1] =	stream.indirect.gather [spmem:s2], $0x80, s18, s12, $0xb8;
	[tilespmem:$0x1D800] =	vst v63  }
0x25: {  	s18 =	smov.u32 s17;
	s17 =	sadd.s32 $0xC80, s17;
	_ =	swait.ge [sflag:s10], $0x3200  }
0x26: {  	[sflag:s10] =	ssyncset.done $0x0  }
0x27: {  	[sflag:s10] =	ssyncadd.s32 $0xFFFFCE00  }
0x28: {  	[tilespmem:s13], [sflag:$0x1] =	stream.indirect.gather [spmem:s2], $0x80, s16, s12, $0xb8;
	[tilespmem:$0x1D800] =	vst v63  }
0x29: {  	_ =	swait.ge [sflag:s10], $0x3200  }
.Ltmp0:
0x2a: {  	[sflag:s10] =	ssyncset.done $0x0;
	(pc) =	sbr.rel @p0 .LBB2_2-.Ltmp0, $4  }
0x2b: {  	s19 =	sadd.s32 s15, s8;
	s15 =	smov.u32 s18;
	[sflag:s10] =	ssyncadd.s32 $0xFFFFCE00  }
0x2c: {  	[hbm4b:s19+s3] =	stream.linear.scatter [tilespmem:s3], [sflag:$0x1], $0x6400, $0x38;
	[tilespmem:$0x1D800] =	vst v63  }
0x2d: {  	_ =	swait.ge [sflag:s10], $0x6400  }
0x2e: {  	s16 =	sadd.s32 $0x100, s16;
	[sflag:s10] =	ssyncset.done $0x0  }
0x2f: {  	s17 =	sadd.s32 $0xFFFFFF80, s16;
	[sflag:s10] =	ssyncadd.s32 $0xFFFF9C00  }
0x30: {  	[tilespmem:s3], [sflag:$0x1] =	stream.indirect.gather [spmem:s2], $0x80, s17, s12, $0xb8;
	[tilespmem:$0x1D800] =	vst v63  }
0x31: {  	_ =	swait.ge [sflag:s10], $0x3200  }
0x32: {  	[sflag:s10] =	ssyncset.done $0x0  }
0x33: {  	[sflag:s10] =	ssyncadd.s32 $0xFFFFCE00  }
0x34: {  	[tilespmem:s13], [sflag:$0x1] =	stream.indirect.gather [spmem:s2], $0x80, s16, s12, $0xb8;
	[tilespmem:$0x1D800] =	vst v63  }
0x35: {  	s14 =	sadd.s32 $0x1, s14;
	_ =	swait.ge [sflag:s10], $0x3200  }
0x36: {  	p0 =	sne.s32 s14, s7;
	[sflag:s10] =	ssyncset.done $0x0  }
.Ltmp1:
0x37: {  	s15 =	sadd.s32 s15, s8;
	[sflag:s10] =	ssyncadd.s32 $0xFFFFCE00;
	(pc) =	sbr.rel @p0 .LBB2_1-.Ltmp1, $4  }
0x38: {  	[hbm4b:s15+s3] =	stream.linear.scatter [tilespmem:s3], [sflag:$0x1], $0x6400, $0x38;
	[tilespmem:$0x1D800] =	vst v63  }
0x39: {  	_ =	swait.ge [sflag:s10], $0x6400  }
0x3a: {  	[sflag:s10] =	ssyncset.done $0x0  }
0x3b: {  	[sflag:s10] =	ssyncadd.s32 $0xFFFF9C00  }
0x3c: {  	_ =	sfence.sel $0x180000  }
0x3d: {  	[bflag:$0x0] =	sbarrier.arrive $0xFFFF  }
0x3e: {  	p0 =	sne.s32 s0, $0x0;
	_ =	strace $0x9000004A  }
0x3f: {  	s0 =	sadd.s32 @!p0 $0x100000, s1;
	[bflag:$0x2] =	sbarrier.arrive $0xFFFF  }
0x40: {  	[sflag:s0] =	ssyncadd.tile.s32 @!p0 $0x1;
	_ =	shalt  }
.Lfunc_end2:
_tile_overlayer_lowered:
.L_overlay_start_2:
0x41: {  	(tag) =	ssettag $0x2  }
0x42: {  	s0 =	rddreg [dreg:$0x0];
	s2 =	stileid.u32  }
0x43: {  	s1 =	rddreg [dreg:$0x1];
	p0 =	sne.s32 s2, $0x0  }
0x44: {  	s3 =	rddreg [dreg:$0x2];
	[bflag:$0x3] =	sbarrier.arrive $0xFFFF;
	s2 =	simm.s32 @!p0 $0x1C01  }
0x45: {  	[timem:s3], [sflag:s2] =	dma.local @!p0 [hbm:s0], s1  }
0x46: {  	s0 =	simm.s32 @!p0 $0x1  }
0x47: {  	_ =	swait.ge @!p0 [sflag:s0], s1  }
0x48: {  	s1 =	ssub.s32 @!p0 $0x0, s1;
	[sflag:s0] =	ssyncset.done @!p0 $0x0  }
0x49: {  	[sflag:s0] =	ssyncadd.s32 @!p0 s1  }
0x4a: {  	[bflag:$0x3] =	sbarrier.arrive $0xFFFF  }
0x4b: {  	_ =	shalt  }

</sc_bundles>
